<compile_context>
chip_gen: v7x
topology: tpu7x:2x2x1
jax: 0.10.2.dev20260603
libtpu: 0.0.44.dev20260713+nightly
codegen_flags: <defaults>
</compile_context>

<pallas_src>
import functools

import jax
import jax.numpy as jnp
from jax import lax
from jax.experimental import pallas as pl
from jax.experimental.pallas import tpu as pltpu
from jax.experimental.pallas import tpu_sc as plsc

NUM_EMB = 1024
DIM = 64
BM = 512
M = 32768

NW = 32
BPW = M // NW
NCHUNK = 8
CHUNK = BPW // NCHUNK


def _dist_argmin_block(x_ref, e_ref, idx_ref, esq_ref):
    @pl.when(pl.program_id(0) == 0)
    def _():
        e = e_ref[...]
        esq_ref[...] = jnp.sum(e * e, axis=0, keepdims=True)

    scores = jax.lax.dot_general(
        x_ref[...], e_ref[...], (((1,), (0,)), ((), ())),
        preferred_element_type=jnp.float32,
    )
    v = (scores + scores) - esq_ref[...]
    idx_ref[0, 0, :] = jnp.argmax(v, axis=1).astype(jnp.int32)


def _tc_indices(flat, embeddings):
    idx = pl.pallas_call(
        _dist_argmin_block,
        grid=(M // BM,),
        in_specs=[
            pl.BlockSpec((BM, DIM), lambda i: (i, 0)),
            pl.BlockSpec((DIM, NUM_EMB), lambda i: (0, 0)),
        ],
        out_specs=pl.BlockSpec((1, 1, BM), lambda i: (i, 0, 0)),
        out_shape=jax.ShapeDtypeStruct((M // BM, 1, BM), jnp.int32),
        scratch_shapes=[pltpu.VMEM((1, NUM_EMB), jnp.float32)],
        compiler_params=pltpu.CompilerParams(
            dimension_semantics=("arbitrary",),
        ),
    )(flat, embeddings)
    return idx.reshape(NW, NCHUNK, CHUNK)


def _sc_gather_body(table_hbm, idx_hbm, out_hbm, idx_v, rows_v, sem):
    wid = lax.axis_index("s") * 2 + lax.axis_index("c")
    pltpu.sync_copy(idx_hbm.at[wid], idx_v)
    for j in range(NCHUNK):
        pltpu.async_copy(
            table_hbm.at[idx_v.at[j]],
            rows_v.at[j % 2],
            sem,
        )
        pltpu.make_async_copy(
            table_hbm.at[idx_v.at[j]],
            rows_v.at[j % 2],
            sem,
        ).wait()
        pltpu.sync_copy(
            rows_v.at[j % 2],
            out_hbm.at[pl.ds(wid * BPW + j * CHUNK, CHUNK)],
        )


@functools.cache
def _sc_gather():
    return pl.kernel(
        _sc_gather_body,
        mesh=plsc.VectorSubcoreMesh(core_axis_name="c", subcore_axis_name="s"),
        out_type=jax.ShapeDtypeStruct((M, 2 * DIM), jnp.float32),
        scratch_types=[
            pltpu.VMEM((NCHUNK, CHUNK), jnp.int32),
            pltpu.VMEM((2, CHUNK, 2 * DIM), jnp.float32),
            pltpu.SemaphoreType.DMA,
        ],
    )


@jax.jit
def kernel(inputs, embeddings):
    flat = inputs.reshape(-1, inputs.shape[-1])
    idx = _tc_indices(flat, embeddings)
    table = jnp.pad(embeddings.T, ((0, 0), (0, DIM)))
    out = _sc_gather()(table, idx)
    return out[:, :DIM].reshape(inputs.shape)

# --- scband reference (transcript-rebuilt; emitter-appended) ---
"""Pipeline reference for scband-vector-quantizer-6768868459155 (READ-ONLY COPY).

The authoritative reference and input builder live on the scoring server;
editing this copy changes nothing except your own understanding.
"""

import jax, jax.numpy as jnp
import numpy as np

NUM_EMBEDDINGS = 1024
CODE_DIM = 64


def setup_inputs(seed: int = 0) -> dict:
    key = jax.random.key(seed)
    k1, k2 = jax.random.split(key)
    inputs = jax.random.normal(k1, (32, 32, 32, CODE_DIM), dtype=jnp.float32)
    # VarianceScaling(uniform) over shape (code_dim, num_embeddings): limit = sqrt(3/fan_in)
    limit = np.sqrt(3.0 / CODE_DIM)
    embeddings = jax.random.uniform(k2, (CODE_DIM, NUM_EMBEDDINGS), dtype=jnp.float32, minval=-limit, maxval=limit)
    return {"inputs": inputs, "embeddings": embeddings}


def reference(inputs, embeddings):
    flat_inputs = inputs.reshape(-1, inputs.shape[-1])
    distances = (
        jnp.sum(flat_inputs ** 2, axis=1, keepdims=True)
        - 2.0 * jnp.matmul(flat_inputs, embeddings)
        + jnp.sum(embeddings ** 2, axis=0, keepdims=True)
    )
    encoding_indices = jnp.argmax(-distances, axis=1)
    encoding_indices = encoding_indices.reshape(inputs.shape[:-1])
    quantized = jnp.take(jnp.transpose(embeddings, (1, 0)), encoding_indices, axis=0)
    return inputs + jax.lax.stop_gradient(quantized - inputs)

if __name__ == "__main__":
    import jax
    _d = setup_inputs()
    print(jax.jit(kernel)(*tuple(_d.values())))

</pallas_src>

<mosaic_0001>
#map = affine_map<(d0, d1) -> (0, 0)>
#map1 = affine_map<(d0, d1) -> (0, 0, 0)>
module attributes {stable_mosaic.version = 14 : i64} {
  func.func @_sc_gather_body(%arg0: i32, %arg1: i32, %arg2: memref<1024x128xf32, #tpu.memory_space<hbm>>, %arg3: memref<32x8x128xi32, #tpu.memory_space<hbm>>, %arg4: memref<32768x128xf32, #tpu.memory_space<hbm>>, %arg5: memref<8x128xi32, #tpu.memory_space<vmem>>, %arg6: memref<2x128x128xf32, #tpu.memory_space<vmem>>, %arg7: memref<!tpu.dma_semaphore, #tpu.memory_space<semaphore_mem>>) attributes {dimension_semantics = [#tpu.dimension_semantics<core_parallel>, #tpu.dimension_semantics<subcore_parallel>], iteration_bounds = array<i64: 2, 16>, scalar_prefetch = 0 : i64, scratch_operands = 3 : i64, tpu.core_type = #tpu.core_type<sc_vector_subcore>, window_params = [{transform_indices = #map}, {transform_indices = #map1}, {transform_indices = #map}]} {
    %mul3A = arith.constant 2 : i32
    %mul3A_0 = arith.muli %arg1, %mul3A : i32
    %add3A = arith.addi %mul3A_0, %arg0 : i32
    "tpu.region"() ({
      %run_scoped3A_230 = tpu.sem_alloc : memref<!tpu.dma_semaphore, #tpu.memory_space<semaphore_mem>>
      %dma_start3A_231 = arith.constant 0 : i32
      %dma_start3A_232 = arith.constant 0 : i32
      %dma_start3A_233 = tpu.memref_slice %arg3[%add3A, %dma_start3A_231, %dma_start3A_232] : memref<32x8x128xi32, #tpu.memory_space<hbm>> -> memref<1x8x128xi32, #tpu.memory_space<hbm>>
      %dma_start3A_234 = tpu.memref_squeeze %dma_start3A_233 : memref<1x8x128xi32, #tpu.memory_space<hbm>> -> memref<8x128xi32, #tpu.memory_space<hbm>>
      %dma_start3A_235 = arith.constant 0 : i32
      %dma_start3A_236 = arith.constant 0 : i32
      %dma_start3A_237 = tpu.memref_slice %arg3[%add3A, %dma_start3A_235, %dma_start3A_236] : memref<32x8x128xi32, #tpu.memory_space<hbm>> -> memref<1x8x128xi32, #tpu.memory_space<hbm>>
      %dma_start3A_238 = tpu.memref_squeeze %dma_start3A_237 : memref<1x8x128xi32, #tpu.memory_space<hbm>> -> memref<8x128xi32, #tpu.memory_space<hbm>>
      tpu.enqueue_dma source(%dma_start3A_238 : memref<8x128xi32, #tpu.memory_space<hbm>>) target(%arg5 : memref<8x128xi32, #tpu.memory_space<vmem>>) target_semaphore(%run_scoped3A_230 : memref<!tpu.dma_semaphore, #tpu.memory_space<semaphore_mem>>)
      %dma_wait3A_239 = arith.constant 0 : i32
      %dma_wait3A_240 = arith.constant 0 : i32
      %dma_wait3A_241 = tpu.memref_slice %arg3[%add3A, %dma_wait3A_239, %dma_wait3A_240] : memref<32x8x128xi32, #tpu.memory_space<hbm>> -> memref<1x8x128xi32, #tpu.memory_space<hbm>>
      %dma_wait3A_242 = tpu.memref_squeeze %dma_wait3A_241 : memref<1x8x128xi32, #tpu.memory_space<hbm>> -> memref<8x128xi32, #tpu.memory_space<hbm>>
      %dma_wait3A_243 = arith.constant 0 : i32
      %dma_wait3A_244 = arith.constant 0 : i32
      %dma_wait3A_245 = tpu.memref_slice %arg3[%add3A, %dma_wait3A_243, %dma_wait3A_244] : memref<32x8x128xi32, #tpu.memory_space<hbm>> -> memref<1x8x128xi32, #tpu.memory_space<hbm>>
      %dma_wait3A_246 = tpu.memref_squeeze %dma_wait3A_245 : memref<1x8x128xi32, #tpu.memory_space<hbm>> -> memref<8x128xi32, #tpu.memory_space<hbm>>
      tpu.wait_dma2 semaphore(%run_scoped3A_230 : memref<!tpu.dma_semaphore, #tpu.memory_space<semaphore_mem>>) src(%dma_wait3A_246 : memref<8x128xi32, #tpu.memory_space<hbm>>) dst(%arg5 : memref<8x128xi32, #tpu.memory_space<vmem>>)
      tpu.yield
    }) : () -> ()
    %dma_start3A = arith.constant 0 : i32
    %dma_start3A_1 = arith.constant 0 : i32
    %dma_start3A_2 = arith.constant 0 : i32
    %dma_start3A_3 = arith.constant 0 : i32
    %dma_start3A_4 = tpu.memref_slice %arg6[%dma_start3A_1, %dma_start3A_2, %dma_start3A_3] : memref<2x128x128xf32, #tpu.memory_space<vmem>> -> memref<1x128x128xf32, #tpu.memory_space<vmem>>
    %dma_start3A_5 = tpu.memref_squeeze %dma_start3A_4 : memref<1x128x128xf32, #tpu.memory_space<vmem>> -> memref<128x128xf32, #tpu.memory_space<vmem>>
    %dma_start3A_6 = arith.constant 0 : i32
    %dma_start3A_7 = tpu.memref_slice %arg5[%dma_start3A, %dma_start3A_6] : memref<8x128xi32, #tpu.memory_space<vmem>> -> memref<1x128xi32, #tpu.memory_space<vmem>>
    %dma_start3A_8 = tpu.memref_squeeze %dma_start3A_7 : memref<1x128xi32, #tpu.memory_space<vmem>> -> memref<128xi32, #tpu.memory_space<vmem>>
    %dma_start3A_9 = arith.constant 0 : i32
    %dma_start3A_10 = arith.constant 0 : i32
    %dma_start3A_11 = tpu.memref_slice %arg2[%dma_start3A_9, %dma_start3A_10] : memref<1024x128xf32, #tpu.memory_space<hbm>> -> memref<1024x128xf32, #tpu.memory_space<hbm>>
    tpu.enqueue_indirect_dma source(%dma_start3A_11 : memref<1024x128xf32, #tpu.memory_space<hbm>>) target(%dma_start3A_5 : memref<128x128xf32, #tpu.memory_space<vmem>>) offsets(%dma_start3A_8 : memref<128xi32, #tpu.memory_space<vmem>>) semaphore(%arg7 : memref<!tpu.dma_semaphore, #tpu.memory_space<semaphore_mem>>)
    %dma_wait3A = arith.constant 0 : i32
    %dma_wait3A_12 = arith.constant 0 : i32
    %dma_wait3A_13 = arith.constant 0 : i32
    %dma_wait3A_14 = arith.constant 0 : i32
    %dma_wait3A_15 = tpu.memref_slice %arg6[%dma_wait3A_12, %dma_wait3A_13, %dma_wait3A_14] : memref<2x128x128xf32, #tpu.memory_space<vmem>> -> memref<1x128x128xf32, #tpu.memory_space<vmem>>
    %dma_wait3A_16 = tpu.memref_squeeze %dma_wait3A_15 : memref<1x128x128xf32, #tpu.memory_space<vmem>> -> memref<128x128xf32, #tpu.memory_space<vmem>>
    %dma_wait3A_17 = arith.constant 0 : i32
    %dma_wait3A_18 = tpu.memref_slice %arg5[%dma_wait3A, %dma_wait3A_17] : memref<8x128xi32, #tpu.memory_space<vmem>> -> memref<1x128xi32, #tpu.memory_space<vmem>>
    %dma_wait3A_19 = tpu.memref_squeeze %dma_wait3A_18 : memref<1x128xi32, #tpu.memory_space<vmem>> -> memref<128xi32, #tpu.memory_space<vmem>>
    %dma_wait3A_20 = arith.constant 0 : i32
    %dma_wait3A_21 = arith.constant 0 : i32
    %dma_wait3A_22 = tpu.memref_slice %arg2[%dma_wait3A_20, %dma_wait3A_21] : memref<1024x128xf32, #tpu.memory_space<hbm>> -> memref<1024x128xf32, #tpu.memory_space<hbm>>
    tpu.wait_indirect_dma semaphore(%arg7 : memref<!tpu.dma_semaphore, #tpu.memory_space<semaphore_mem>>) src(%dma_wait3A_22 : memref<1024x128xf32, #tpu.memory_space<hbm>>) dst(%dma_wait3A_16 : memref<128x128xf32, #tpu.memory_space<vmem>>)
    %mul3A_23 = arith.constant 1024 : i32
    %mul3A_24 = arith.muli %add3A, %mul3A_23 : i32
    %add3A_25 = arith.constant 0 : i32
    %add3A_26 = arith.addi %mul3A_24, %add3A_25 : i32
    %run_scoped3A = arith.constant 0 : i32
    "tpu.region"() ({
      %run_scoped3A_230 = tpu.sem_alloc : memref<!tpu.dma_semaphore, #tpu.memory_space<semaphore_mem>>
      %dma_start3A_231 = arith.constant 0 : i32
      %dma_start3A_232 = arith.constant 0 : i32
      %dma_start3A_233 = tpu.memref_slice %arg6[%run_scoped3A, %dma_start3A_231, %dma_start3A_232] : memref<2x128x128xf32, #tpu.memory_space<vmem>> -> memref<1x128x128xf32, #tpu.memory_space<vmem>>
      %dma_start3A_234 = tpu.memref_squeeze %dma_start3A_233 : memref<1x128x128xf32, #tpu.memory_space<vmem>> -> memref<128x128xf32, #tpu.memory_space<vmem>>
      %dma_start3A_235 = arith.constant 0 : i32
      %dma_start3A_236 = tpu.memref_slice %arg4[%add3A_26, %dma_start3A_235] : memref<32768x128xf32, #tpu.memory_space<hbm>> -> memref<128x128xf32, #tpu.memory_space<hbm>>
      %dma_start3A_237 = arith.constant 0 : i32
      %dma_start3A_238 = tpu.memref_slice %arg4[%add3A_26, %dma_start3A_237] : memref<32768x128xf32, #tpu.memory_space<hbm>> -> memref<128x128xf32, #tpu.memory_space<hbm>>
      %dma_start3A_239 = arith.constant 0 : i32
      %dma_start3A_240 = arith.constant 0 : i32
      %dma_start3A_241 = tpu.memref_slice %arg6[%run_scoped3A, %dma_start3A_239, %dma_start3A_240] : memref<2x128x128xf32, #tpu.memory_space<vmem>> -> memref<1x128x128xf32, #tpu.memory_space<vmem>>
      %dma_start3A_242 = tpu.memref_squeeze %dma_start3A_241 : memref<1x128x128xf32, #tpu.memory_space<vmem>> -> memref<128x128xf32, #tpu.memory_space<vmem>>
      tpu.enqueue_dma source(%dma_start3A_242 : memref<128x128xf32, #tpu.memory_space<vmem>>) target(%dma_start3A_238 : memref<128x128xf32, #tpu.memory_space<hbm>>) target_semaphore(%run_scoped3A_230 : memref<!tpu.dma_semaphore, #tpu.memory_space<semaphore_mem>>)
      %dma_wait3A_243 = arith.constant 0 : i32
      %dma_wait3A_244 = arith.constant 0 : i32
      %dma_wait3A_245 = tpu.memref_slice %arg6[%run_scoped3A, %dma_wait3A_243, %dma_wait3A_244] : memref<2x128x128xf32, #tpu.memory_space<vmem>> -> memref<1x128x128xf32, #tpu.memory_space<vmem>>
      %dma_wait3A_246 = tpu.memref_squeeze %dma_wait3A_245 : memref<1x128x128xf32, #tpu.memory_space<vmem>> -> memref<128x128xf32, #tpu.memory_space<vmem>>
      %dma_wait3A_247 = arith.constant 0 : i32
      %dma_wait3A_248 = tpu.memref_slice %arg4[%add3A_26, %dma_wait3A_247] : memref<32768x128xf32, #tpu.memory_space<hbm>> -> memref<128x128xf32, #tpu.memory_space<hbm>>
      %dma_wait3A_249 = arith.constant 0 : i32
      %dma_wait3A_250 = tpu.memref_slice %arg4[%add3A_26, %dma_wait3A_249] : memref<32768x128xf32, #tpu.memory_space<hbm>> -> memref<128x128xf32, #tpu.memory_space<hbm>>
      %dma_wait3A_251 = arith.constant 0 : i32
      %dma_wait3A_252 = arith.constant 0 : i32
      %dma_wait3A_253 = tpu.memref_slice %arg6[%run_scoped3A, %dma_wait3A_251, %dma_wait3A_252] : memref<2x128x128xf32, #tpu.memory_space<vmem>> -> memref<1x128x128xf32, #tpu.memory_space<vmem>>
      %dma_wait3A_254 = tpu.memref_squeeze %dma_wait3A_253 : memref<1x128x128xf32, #tpu.memory_space<vmem>> -> memref<128x128xf32, #tpu.memory_space<vmem>>
      tpu.wait_dma2 semaphore(%run_scoped3A_230 : memref<!tpu.dma_semaphore, #tpu.memory_space<semaphore_mem>>) src(%dma_wait3A_254 : memref<128x128xf32, #tpu.memory_space<vmem>>) dst(%dma_wait3A_250 : memref<128x128xf32, #tpu.memory_space<hbm>>)
      tpu.yield
    }) : () -> ()
    %dma_start3A_27 = arith.constant 1 : i32
    %dma_start3A_28 = arith.constant 1 : i32
    %dma_start3A_29 = arith.constant 0 : i32
    %dma_start3A_30 = arith.constant 0 : i32
    %dma_start3A_31 = tpu.memref_slice %arg6[%dma_start3A_28, %dma_start3A_29, %dma_start3A_30] : memref<2x128x128xf32, #tpu.memory_space<vmem>> -> memref<1x128x128xf32, #tpu.memory_space<vmem>>
    %dma_start3A_32 = tpu.memref_squeeze %dma_start3A_31 : memref<1x128x128xf32, #tpu.memory_space<vmem>> -> memref<128x128xf32, #tpu.memory_space<vmem>>
    %dma_start3A_33 = arith.constant 0 : i32
    %dma_start3A_34 = tpu.memref_slice %arg5[%dma_start3A_27, %dma_start3A_33] : memref<8x128xi32, #tpu.memory_space<vmem>> -> memref<1x128xi32, #tpu.memory_space<vmem>>
    %dma_start3A_35 = tpu.memref_squeeze %dma_start3A_34 : memref<1x128xi32, #tpu.memory_space<vmem>> -> memref<128xi32, #tpu.memory_space<vmem>>
    %dma_start3A_36 = arith.constant 0 : i32
    %dma_start3A_37 = arith.constant 0 : i32
    %dma_start3A_38 = tpu.memref_slice %arg2[%dma_start3A_36, %dma_start3A_37] : memref<1024x128xf32, #tpu.memory_space<hbm>> -> memref<1024x128xf32, #tpu.memory_space<hbm>>
    tpu.enqueue_indirect_dma source(%dma_start3A_38 : memref<1024x128xf32, #tpu.memory_space<hbm>>) target(%dma_start3A_32 : memref<128x128xf32, #tpu.memory_space<vmem>>) offsets(%dma_start3A_35 : memref<128xi32, #tpu.memory_space<vmem>>) semaphore(%arg7 : memref<!tpu.dma_semaphore, #tpu.memory_space<semaphore_mem>>)
    %dma_wait3A_39 = arith.constant 1 : i32
    %dma_wait3A_40 = arith.constant 1 : i32
    %dma_wait3A_41 = arith.constant 0 : i32
    %dma_wait3A_42 = arith.constant 0 : i32
    %dma_wait3A_43 = tpu.memref_slice %arg6[%dma_wait3A_40, %dma_wait3A_41, %dma_wait3A_42] : memref<2x128x128xf32, #tpu.memory_space<vmem>> -> memref<1x128x128xf32, #tpu.memory_space<vmem>>
    %dma_wait3A_44 = tpu.memref_squeeze %dma_wait3A_43 : memref<1x128x128xf32, #tpu.memory_space<vmem>> -> memref<128x128xf32, #tpu.memory_space<vmem>>
    %dma_wait3A_45 = arith.constant 0 : i32
    %dma_wait3A_46 = tpu.memref_slice %arg5[%dma_wait3A_39, %dma_wait3A_45] : memref<8x128xi32, #tpu.memory_space<vmem>> -> memref<1x128xi32, #tpu.memory_space<vmem>>
    %dma_wait3A_47 = tpu.memref_squeeze %dma_wait3A_46 : memref<1x128xi32, #tpu.memory_space<vmem>> -> memref<128xi32, #tpu.memory_space<vmem>>
    %dma_wait3A_48 = arith.constant 0 : i32
    %dma_wait3A_49 = arith.constant 0 : i32
    %dma_wait3A_50 = tpu.memref_slice %arg2[%dma_wait3A_48, %dma_wait3A_49] : memref<1024x128xf32, #tpu.memory_space<hbm>> -> memref<1024x128xf32, #tpu.memory_space<hbm>>
    tpu.wait_indirect_dma semaphore(%arg7 : memref<!tpu.dma_semaphore, #tpu.memory_space<semaphore_mem>>) src(%dma_wait3A_50 : memref<1024x128xf32, #tpu.memory_space<hbm>>) dst(%dma_wait3A_44 : memref<128x128xf32, #tpu.memory_space<vmem>>)
    %mul3A_51 = arith.constant 1024 : i32
    %mul3A_52 = arith.muli %add3A, %mul3A_51 : i32
    %add3A_53 = arith.constant 128 : i32
    %add3A_54 = arith.addi %mul3A_52, %add3A_53 : i32
    %run_scoped3A_55 = arith.constant 1 : i32
    "tpu.region"() ({
      %run_scoped3A_230 = tpu.sem_alloc : memref<!tpu.dma_semaphore, #tpu.memory_space<semaphore_mem>>
      %dma_start3A_231 = arith.constant 0 : i32
      %dma_start3A_232 = arith.constant 0 : i32
      %dma_start3A_233 = tpu.memref_slice %arg6[%run_scoped3A_55, %dma_start3A_231, %dma_start3A_232] : memref<2x128x128xf32, #tpu.memory_space<vmem>> -> memref<1x128x128xf32, #tpu.memory_space<vmem>>
      %dma_start3A_234 = tpu.memref_squeeze %dma_start3A_233 : memref<1x128x128xf32, #tpu.memory_space<vmem>> -> memref<128x128xf32, #tpu.memory_space<vmem>>
      %dma_start3A_235 = arith.constant 0 : i32
      %dma_start3A_236 = tpu.memref_slice %arg4[%add3A_54, %dma_start3A_235] : memref<32768x128xf32, #tpu.memory_space<hbm>> -> memref<128x128xf32, #tpu.memory_space<hbm>>
      %dma_start3A_237 = arith.constant 0 : i32
      %dma_start3A_238 = tpu.memref_slice %arg4[%add3A_54, %dma_start3A_237] : memref<32768x128xf32, #tpu.memory_space<hbm>> -> memref<128x128xf32, #tpu.memory_space<hbm>>
      %dma_start3A_239 = arith.constant 0 : i32
      %dma_start3A_240 = arith.constant 0 : i32
      %dma_start3A_241 = tpu.memref_slice %arg6[%run_scoped3A_55, %dma_start3A_239, %dma_start3A_240] : memref<2x128x128xf32, #tpu.memory_space<vmem>> -> memref<1x128x128xf32, #tpu.memory_space<vmem>>
      %dma_start3A_242 = tpu.memref_squeeze %dma_start3A_241 : memref<1x128x128xf32, #tpu.memory_space<vmem>> -> memref<128x128xf32, #tpu.memory_space<vmem>>
      tpu.enqueue_dma source(%dma_start3A_242 : memref<128x128xf32, #tpu.memory_space<vmem>>) target(%dma_start3A_238 : memref<128x128xf32, #tpu.memory_space<hbm>>) target_semaphore(%run_scoped3A_230 : memref<!tpu.dma_semaphore, #tpu.memory_space<semaphore_mem>>)
      %dma_wait3A_243 = arith.constant 0 : i32
      %dma_wait3A_244 = arith.constant 0 : i32
      %dma_wait3A_245 = tpu.memref_slice %arg6[%run_scoped3A_55, %dma_wait3A_243, %dma_wait3A_244] : memref<2x128x128xf32, #tpu.memory_space<vmem>> -> memref<1x128x128xf32, #tpu.memory_space<vmem>>
      %dma_wait3A_246 = tpu.memref_squeeze %dma_wait3A_245 : memref<1x128x128xf32, #tpu.memory_space<vmem>> -> memref<128x128xf32, #tpu.memory_space<vmem>>
      %dma_wait3A_247 = arith.constant 0 : i32
      %dma_wait3A_248 = tpu.memref_slice %arg4[%add3A_54, %dma_wait3A_247] : memref<32768x128xf32, #tpu.memory_space<hbm>> -> memref<128x128xf32, #tpu.memory_space<hbm>>
      %dma_wait3A_249 = arith.constant 0 : i32
      %dma_wait3A_250 = tpu.memref_slice %arg4[%add3A_54, %dma_wait3A_249] : memref<32768x128xf32, #tpu.memory_space<hbm>> -> memref<128x128xf32, #tpu.memory_space<hbm>>
      %dma_wait3A_251 = arith.constant 0 : i32
      %dma_wait3A_252 = arith.constant 0 : i32
      %dma_wait3A_253 = tpu.memref_slice %arg6[%run_scoped3A_55, %dma_wait3A_251, %dma_wait3A_252] : memref<2x128x128xf32, #tpu.memory_space<vmem>> -> memref<1x128x128xf32, #tpu.memory_space<vmem>>
      %dma_wait3A_254 = tpu.memref_squeeze %dma_wait3A_253 : memref<1x128x128xf32, #tpu.memory_space<vmem>> -> memref<128x128xf32, #tpu.memory_space<vmem>>
      tpu.wait_dma2 semaphore(%run_scoped3A_230 : memref<!tpu.dma_semaphore, #tpu.memory_space<semaphore_mem>>) src(%dma_wait3A_254 : memref<128x128xf32, #tpu.memory_space<vmem>>) dst(%dma_wait3A_250 : memref<128x128xf32, #tpu.memory_space<hbm>>)
      tpu.yield
    }) : () -> ()
    %dma_start3A_56 = arith.constant 2 : i32
    %dma_start3A_57 = arith.constant 0 : i32
    %dma_start3A_58 = arith.constant 0 : i32
    %dma_start3A_59 = arith.constant 0 : i32
    %dma_start3A_60 = tpu.memref_slice %arg6[%dma_start3A_57, %dma_start3A_58, %dma_start3A_59] : memref<2x128x128xf32, #tpu.memory_space<vmem>> -> memref<1x128x128xf32, #tpu.memory_space<vmem>>
    %dma_start3A_61 = tpu.memref_squeeze %dma_start3A_60 : memref<1x128x128xf32, #tpu.memory_space<vmem>> -> memref<128x128xf32, #tpu.memory_space<vmem>>
    %dma_start3A_62 = arith.constant 0 : i32
    %dma_start3A_63 = tpu.memref_slice %arg5[%dma_start3A_56, %dma_start3A_62] : memref<8x128xi32, #tpu.memory_space<vmem>> -> memref<1x128xi32, #tpu.memory_space<vmem>>
    %dma_start3A_64 = tpu.memref_squeeze %dma_start3A_63 : memref<1x128xi32, #tpu.memory_space<vmem>> -> memref<128xi32, #tpu.memory_space<vmem>>
    %dma_start3A_65 = arith.constant 0 : i32
    %dma_start3A_66 = arith.constant 0 : i32
    %dma_start3A_67 = tpu.memref_slice %arg2[%dma_start3A_65, %dma_start3A_66] : memref<1024x128xf32, #tpu.memory_space<hbm>> -> memref<1024x128xf32, #tpu.memory_space<hbm>>
    tpu.enqueue_indirect_dma source(%dma_start3A_67 : memref<1024x128xf32, #tpu.memory_space<hbm>>) target(%dma_start3A_61 : memref<128x128xf32, #tpu.memory_space<vmem>>) offsets(%dma_start3A_64 : memref<128xi32, #tpu.memory_space<vmem>>) semaphore(%arg7 : memref<!tpu.dma_semaphore, #tpu.memory_space<semaphore_mem>>)
    %dma_wait3A_68 = arith.constant 2 : i32
    %dma_wait3A_69 = arith.constant 0 : i32
    %dma_wait3A_70 = arith.constant 0 : i32
    %dma_wait3A_71 = arith.constant 0 : i32
    %dma_wait3A_72 = tpu.memref_slice %arg6[%dma_wait3A_69, %dma_wait3A_70, %dma_wait3A_71] : memref<2x128x128xf32, #tpu.memory_space<vmem>> -> memref<1x128x128xf32, #tpu.memory_space<vmem>>
    %dma_wait3A_73 = tpu.memref_squeeze %dma_wait3A_72 : memref<1x128x128xf32, #tpu.memory_space<vmem>> -> memref<128x128xf32, #tpu.memory_space<vmem>>
    %dma_wait3A_74 = arith.constant 0 : i32
    %dma_wait3A_75 = tpu.memref_slice %arg5[%dma_wait3A_68, %dma_wait3A_74] : memref<8x128xi32, #tpu.memory_space<vmem>> -> memref<1x128xi32, #tpu.memory_space<vmem>>
    %dma_wait3A_76 = tpu.memref_squeeze %dma_wait3A_75 : memref<1x128xi32, #tpu.memory_space<vmem>> -> memref<128xi32, #tpu.memory_space<vmem>>
    %dma_wait3A_77 = arith.constant 0 : i32
    %dma_wait3A_78 = arith.constant 0 : i32
    %dma_wait3A_79 = tpu.memref_slice %arg2[%dma_wait3A_77, %dma_wait3A_78] : memref<1024x128xf32, #tpu.memory_space<hbm>> -> memref<1024x128xf32, #tpu.memory_space<hbm>>
    tpu.wait_indirect_dma semaphore(%arg7 : memref<!tpu.dma_semaphore, #tpu.memory_space<semaphore_mem>>) src(%dma_wait3A_79 : memref<1024x128xf32, #tpu.memory_space<hbm>>) dst(%dma_wait3A_73 : memref<128x128xf32, #tpu.memory_space<vmem>>)
    %mul3A_80 = arith.constant 1024 : i32
    %mul3A_81 = arith.muli %add3A, %mul3A_80 : i32
    %add3A_82 = arith.constant 256 : i32
    %add3A_83 = arith.addi %mul3A_81, %add3A_82 : i32
    %run_scoped3A_84 = arith.constant 0 : i32
    "tpu.region"() ({
      %run_scoped3A_230 = tpu.sem_alloc : memref<!tpu.dma_semaphore, #tpu.memory_space<semaphore_mem>>
      %dma_start3A_231 = arith.constant 0 : i32
      %dma_start3A_232 = arith.constant 0 : i32
      %dma_start3A_233 = tpu.memref_slice %arg6[%run_scoped3A_84, %dma_start3A_231, %dma_start3A_232] : memref<2x128x128xf32, #tpu.memory_space<vmem>> -> memref<1x128x128xf32, #tpu.memory_space<vmem>>
      %dma_start3A_234 = tpu.memref_squeeze %dma_start3A_233 : memref<1x128x128xf32, #tpu.memory_space<vmem>> -> memref<128x128xf32, #tpu.memory_space<vmem>>
      %dma_start3A_235 = arith.constant 0 : i32
      %dma_start3A_236 = tpu.memref_slice %arg4[%add3A_83, %dma_start3A_235] : memref<32768x128xf32, #tpu.memory_space<hbm>> -> memref<128x128xf32, #tpu.memory_space<hbm>>
      %dma_start3A_237 = arith.constant 0 : i32
      %dma_start3A_238 = tpu.memref_slice %arg4[%add3A_83, %dma_start3A_237] : memref<32768x128xf32, #tpu.memory_space<hbm>> -> memref<128x128xf32, #tpu.memory_space<hbm>>
      %dma_start3A_239 = arith.constant 0 : i32
      %dma_start3A_240 = arith.constant 0 : i32
      %dma_start3A_241 = tpu.memref_slice %arg6[%run_scoped3A_84, %dma_start3A_239, %dma_start3A_240] : memref<2x128x128xf32, #tpu.memory_space<vmem>> -> memref<1x128x128xf32, #tpu.memory_space<vmem>>
      %dma_start3A_242 = tpu.memref_squeeze %dma_start3A_241 : memref<1x128x128xf32, #tpu.memory_space<vmem>> -> memref<128x128xf32, #tpu.memory_space<vmem>>
      tpu.enqueue_dma source(%dma_start3A_242 : memref<128x128xf32, #tpu.memory_space<vmem>>) target(%dma_start3A_238 : memref<128x128xf32, #tpu.memory_space<hbm>>) target_semaphore(%run_scoped3A_230 : memref<!tpu.dma_semaphore, #tpu.memory_space<semaphore_mem>>)
      %dma_wait3A_243 = arith.constant 0 : i32
      %dma_wait3A_244 = arith.constant 0 : i32
      %dma_wait3A_245 = tpu.memref_slice %arg6[%run_scoped3A_84, %dma_wait3A_243, %dma_wait3A_244] : memref<2x128x128xf32, #tpu.memory_space<vmem>> -> memref<1x128x128xf32, #tpu.memory_space<vmem>>
      %dma_wait3A_246 = tpu.memref_squeeze %dma_wait3A_245 : memref<1x128x128xf32, #tpu.memory_space<vmem>> -> memref<128x128xf32, #tpu.memory_space<vmem>>
      %dma_wait3A_247 = arith.constant 0 : i32
      %dma_wait3A_248 = tpu.memref_slice %arg4[%add3A_83, %dma_wait3A_247] : memref<32768x128xf32, #tpu.memory_space<hbm>> -> memref<128x128xf32, #tpu.memory_space<hbm>>
      %dma_wait3A_249 = arith.constant 0 : i32
      %dma_wait3A_250 = tpu.memref_slice %arg4[%add3A_83, %dma_wait3A_249] : memref<32768x128xf32, #tpu.memory_space<hbm>> -> memref<128x128xf32, #tpu.memory_space<hbm>>
      %dma_wait3A_251 = arith.constant 0 : i32
      %dma_wait3A_252 = arith.constant 0 : i32
      %dma_wait3A_253 = tpu.memref_slice %arg6[%run_scoped3A_84, %dma_wait3A_251, %dma_wait3A_252] : memref<2x128x128xf32, #tpu.memory_space<vmem>> -> memref<1x128x128xf32, #tpu.memory_space<vmem>>
      %dma_wait3A_254 = tpu.memref_squeeze %dma_wait3A_253 : memref<1x128x128xf32, #tpu.memory_space<vmem>> -> memref<128x128xf32, #tpu.memory_space<vmem>>
      tpu.wait_dma2 semaphore(%run_scoped3A_230 : memref<!tpu.dma_semaphore, #tpu.memory_space<semaphore_mem>>) src(%dma_wait3A_254 : memref<128x128xf32, #tpu.memory_space<vmem>>) dst(%dma_wait3A_250 : memref<128x128xf32, #tpu.memory_space<hbm>>)
      tpu.yield
    }) : () -> ()
    %dma_start3A_85 = arith.constant 3 : i32
    %dma_start3A_86 = arith.constant 1 : i32
    %dma_start3A_87 = arith.constant 0 : i32
    %dma_start3A_88 = arith.constant 0 : i32
    %dma_start3A_89 = tpu.memref_slice %arg6[%dma_start3A_86, %dma_start3A_87, %dma_start3A_88] : memref<2x128x128xf32, #tpu.memory_space<vmem>> -> memref<1x128x128xf32, #tpu.memory_space<vmem>>
    %dma_start3A_90 = tpu.memref_squeeze %dma_start3A_89 : memref<1x128x128xf32, #tpu.memory_space<vmem>> -> memref<128x128xf32, #tpu.memory_space<vmem>>
    %dma_start3A_91 = arith.constant 0 : i32
    %dma_start3A_92 = tpu.memref_slice %arg5[%dma_start3A_85, %dma_start3A_91] : memref<8x128xi32, #tpu.memory_space<vmem>> -> memref<1x128xi32, #tpu.memory_space<vmem>>
    %dma_start3A_93 = tpu.memref_squeeze %dma_start3A_92 : memref<1x128xi32, #tpu.memory_space<vmem>> -> memref<128xi32, #tpu.memory_space<vmem>>
    %dma_start3A_94 = arith.constant 0 : i32
    %dma_start3A_95 = arith.constant 0 : i32
    %dma_start3A_96 = tpu.memref_slice %arg2[%dma_start3A_94, %dma_start3A_95] : memref<1024x128xf32, #tpu.memory_space<hbm>> -> memref<1024x128xf32, #tpu.memory_space<hbm>>
    tpu.enqueue_indirect_dma source(%dma_start3A_96 : memref<1024x128xf32, #tpu.memory_space<hbm>>) target(%dma_start3A_90 : memref<128x128xf32, #tpu.memory_space<vmem>>) offsets(%dma_start3A_93 : memref<128xi32, #tpu.memory_space<vmem>>) semaphore(%arg7 : memref<!tpu.dma_semaphore, #tpu.memory_space<semaphore_mem>>)
    %dma_wait3A_97 = arith.constant 3 : i32
    %dma_wait3A_98 = arith.constant 1 : i32
    %dma_wait3A_99 = arith.constant 0 : i32
    %dma_wait3A_100 = arith.constant 0 : i32
    %dma_wait3A_101 = tpu.memref_slice %arg6[%dma_wait3A_98, %dma_wait3A_99, %dma_wait3A_100] : memref<2x128x128xf32, #tpu.memory_space<vmem>> -> memref<1x128x128xf32, #tpu.memory_space<vmem>>
    %dma_wait3A_102 = tpu.memref_squeeze %dma_wait3A_101 : memref<1x128x128xf32, #tpu.memory_space<vmem>> -> memref<128x128xf32, #tpu.memory_space<vmem>>
    %dma_wait3A_103 = arith.constant 0 : i32
    %dma_wait3A_104 = tpu.memref_slice %arg5[%dma_wait3A_97, %dma_wait3A_103] : memref<8x128xi32, #tpu.memory_space<vmem>> -> memref<1x128xi32, #tpu.memory_space<vmem>>
    %dma_wait3A_105 = tpu.memref_squeeze %dma_wait3A_104 : memref<1x128xi32, #tpu.memory_space<vmem>> -> memref<128xi32, #tpu.memory_space<vmem>>
    %dma_wait3A_106 = arith.constant 0 : i32
    %dma_wait3A_107 = arith.constant 0 : i32
    %dma_wait3A_108 = tpu.memref_slice %arg2[%dma_wait3A_106, %dma_wait3A_107] : memref<1024x128xf32, #tpu.memory_space<hbm>> -> memref<1024x128xf32, #tpu.memory_space<hbm>>
    tpu.wait_indirect_dma semaphore(%arg7 : memref<!tpu.dma_semaphore, #tpu.memory_space<semaphore_mem>>) src(%dma_wait3A_108 : memref<1024x128xf32, #tpu.memory_space<hbm>>) dst(%dma_wait3A_102 : memref<128x128xf32, #tpu.memory_space<vmem>>)
    %mul3A_109 = arith.constant 1024 : i32
    %mul3A_110 = arith.muli %add3A, %mul3A_109 : i32
    %add3A_111 = arith.constant 384 : i32
    %add3A_112 = arith.addi %mul3A_110, %add3A_111 : i32
    %run_scoped3A_113 = arith.constant 1 : i32
    "tpu.region"() ({
      %run_scoped3A_230 = tpu.sem_alloc : memref<!tpu.dma_semaphore, #tpu.memory_space<semaphore_mem>>
      %dma_start3A_231 = arith.constant 0 : i32
      %dma_start3A_232 = arith.constant 0 : i32
      %dma_start3A_233 = tpu.memref_slice %arg6[%run_scoped3A_113, %dma_start3A_231, %dma_start3A_232] : memref<2x128x128xf32, #tpu.memory_space<vmem>> -> memref<1x128x128xf32, #tpu.memory_space<vmem>>
      %dma_start3A_234 = tpu.memref_squeeze %dma_start3A_233 : memref<1x128x128xf32, #tpu.memory_space<vmem>> -> memref<128x128xf32, #tpu.memory_space<vmem>>
      %dma_start3A_235 = arith.constant 0 : i32
      %dma_start3A_236 = tpu.memref_slice %arg4[%add3A_112, %dma_start3A_235] : memref<32768x128xf32, #tpu.memory_space<hbm>> -> memref<128x128xf32, #tpu.memory_space<hbm>>
      %dma_start3A_237 = arith.constant 0 : i32
      %dma_start3A_238 = tpu.memref_slice %arg4[%add3A_112, %dma_start3A_237] : memref<32768x128xf32, #tpu.memory_space<hbm>> -> memref<128x128xf32, #tpu.memory_space<hbm>>
      %dma_start3A_239 = arith.constant 0 : i32
      %dma_start3A_240 = arith.constant 0 : i32
      %dma_start3A_241 = tpu.memref_slice %arg6[%run_scoped3A_113, %dma_start3A_239, %dma_start3A_240] : memref<2x128x128xf32, #tpu.memory_space<vmem>> -> memref<1x128x128xf32, #tpu.memory_space<vmem>>
      %dma_start3A_242 = tpu.memref_squeeze %dma_start3A_241 : memref<1x128x128xf32, #tpu.memory_space<vmem>> -> memref<128x128xf32, #tpu.memory_space<vmem>>
      tpu.enqueue_dma source(%dma_start3A_242 : memref<128x128xf32, #tpu.memory_space<vmem>>) target(%dma_start3A_238 : memref<128x128xf32, #tpu.memory_space<hbm>>) target_semaphore(%run_scoped3A_230 : memref<!tpu.dma_semaphore, #tpu.memory_space<semaphore_mem>>)
      %dma_wait3A_243 = arith.constant 0 : i32
      %dma_wait3A_244 = arith.constant 0 : i32
      %dma_wait3A_245 = tpu.memref_slice %arg6[%run_scoped3A_113, %dma_wait3A_243, %dma_wait3A_244] : memref<2x128x128xf32, #tpu.memory_space<vmem>> -> memref<1x128x128xf32, #tpu.memory_space<vmem>>
      %dma_wait3A_246 = tpu.memref_squeeze %dma_wait3A_245 : memref<1x128x128xf32, #tpu.memory_space<vmem>> -> memref<128x128xf32, #tpu.memory_space<vmem>>
      %dma_wait3A_247 = arith.constant 0 : i32
      %dma_wait3A_248 = tpu.memref_slice %arg4[%add3A_112, %dma_wait3A_247] : memref<32768x128xf32, #tpu.memory_space<hbm>> -> memref<128x128xf32, #tpu.memory_space<hbm>>
      %dma_wait3A_249 = arith.constant 0 : i32
      %dma_wait3A_250 = tpu.memref_slice %arg4[%add3A_112, %dma_wait3A_249] : memref<32768x128xf32, #tpu.memory_space<hbm>> -> memref<128x128xf32, #tpu.memory_space<hbm>>
      %dma_wait3A_251 = arith.constant 0 : i32
      %dma_wait3A_252 = arith.constant 0 : i32
      %dma_wait3A_253 = tpu.memref_slice %arg6[%run_scoped3A_113, %dma_wait3A_251, %dma_wait3A_252] : memref<2x128x128xf32, #tpu.memory_space<vmem>> -> memref<1x128x128xf32, #tpu.memory_space<vmem>>
      %dma_wait3A_254 = tpu.memref_squeeze %dma_wait3A_253 : memref<1x128x128xf32, #tpu.memory_space<vmem>> -> memref<128x128xf32, #tpu.memory_space<vmem>>
      tpu.wait_dma2 semaphore(%run_scoped3A_230 : memref<!tpu.dma_semaphore, #tpu.memory_space<semaphore_mem>>) src(%dma_wait3A_254 : memref<128x128xf32, #tpu.memory_space<vmem>>) dst(%dma_wait3A_250 : memref<128x128xf32, #tpu.memory_space<hbm>>)
      tpu.yield
    }) : () -> ()
    %dma_start3A_114 = arith.constant 4 : i32
    %dma_start3A_115 = arith.constant 0 : i32
    %dma_start3A_116 = arith.constant 0 : i32
    %dma_start3A_117 = arith.constant 0 : i32
    %dma_start3A_118 = tpu.memref_slice %arg6[%dma_start3A_115, %dma_start3A_116, %dma_start3A_117] : memref<2x128x128xf32, #tpu.memory_space<vmem>> -> memref<1x128x128xf32, #tpu.memory_space<vmem>>
    %dma_start3A_119 = tpu.memref_squeeze %dma_start3A_118 : memref<1x128x128xf32, #tpu.memory_space<vmem>> -> memref<128x128xf32, #tpu.memory_space<vmem>>
    %dma_start3A_120 = arith.constant 0 : i32
    %dma_start3A_121 = tpu.memref_slice %arg5[%dma_start3A_114, %dma_start3A_120] : memref<8x128xi32, #tpu.memory_space<vmem>> -> memref<1x128xi32, #tpu.memory_space<vmem>>
    %dma_start3A_122 = tpu.memref_squeeze %dma_start3A_121 : memref<1x128xi32, #tpu.memory_space<vmem>> -> memref<128xi32, #tpu.memory_space<vmem>>
    %dma_start3A_123 = arith.constant 0 : i32
    %dma_start3A_124 = arith.constant 0 : i32
    %dma_start3A_125 = tpu.memref_slice %arg2[%dma_start3A_123, %dma_start3A_124] : memref<1024x128xf32, #tpu.memory_space<hbm>> -> memref<1024x128xf32, #tpu.memory_space<hbm>>
    tpu.enqueue_indirect_dma source(%dma_start3A_125 : memref<1024x128xf32, #tpu.memory_space<hbm>>) target(%dma_start3A_119 : memref<128x128xf32, #tpu.memory_space<vmem>>) offsets(%dma_start3A_122 : memref<128xi32, #tpu.memory_space<vmem>>) semaphore(%arg7 : memref<!tpu.dma_semaphore, #tpu.memory_space<semaphore_mem>>)
    %dma_wait3A_126 = arith.constant 4 : i32
    %dma_wait3A_127 = arith.constant 0 : i32
    %dma_wait3A_128 = arith.constant 0 : i32
    %dma_wait3A_129 = arith.constant 0 : i32
    %dma_wait3A_130 = tpu.memref_slice %arg6[%dma_wait3A_127, %dma_wait3A_128, %dma_wait3A_129] : memref<2x128x128xf32, #tpu.memory_space<vmem>> -> memref<1x128x128xf32, #tpu.memory_space<vmem>>
    %dma_wait3A_131 = tpu.memref_squeeze %dma_wait3A_130 : memref<1x128x128xf32, #tpu.memory_space<vmem>> -> memref<128x128xf32, #tpu.memory_space<vmem>>
    %dma_wait3A_132 = arith.constant 0 : i32
    %dma_wait3A_133 = tpu.memref_slice %arg5[%dma_wait3A_126, %dma_wait3A_132] : memref<8x128xi32, #tpu.memory_space<vmem>> -> memref<1x128xi32, #tpu.memory_space<vmem>>
    %dma_wait3A_134 = tpu.memref_squeeze %dma_wait3A_133 : memref<1x128xi32, #tpu.memory_space<vmem>> -> memref<128xi32, #tpu.memory_space<vmem>>
    %dma_wait3A_135 = arith.constant 0 : i32
    %dma_wait3A_136 = arith.constant 0 : i32
    %dma_wait3A_137 = tpu.memref_slice %arg2[%dma_wait3A_135, %dma_wait3A_136] : memref<1024x128xf32, #tpu.memory_space<hbm>> -> memref<1024x128xf32, #tpu.memory_space<hbm>>
    tpu.wait_indirect_dma semaphore(%arg7 : memref<!tpu.dma_semaphore, #tpu.memory_space<semaphore_mem>>) src(%dma_wait3A_137 : memref<1024x128xf32, #tpu.memory_space<hbm>>) dst(%dma_wait3A_131 : memref<128x128xf32, #tpu.memory_space<vmem>>)
    %mul3A_138 = arith.constant 1024 : i32
    %mul3A_139 = arith.muli %add3A, %mul3A_138 : i32
    %add3A_140 = arith.constant 512 : i32
    %add3A_141 = arith.addi %mul3A_139, %add3A_140 : i32
    %run_scoped3A_142 = arith.constant 0 : i32
    "tpu.region"() ({
      %run_scoped3A_230 = tpu.sem_alloc : memref<!tpu.dma_semaphore, #tpu.memory_space<semaphore_mem>>
      %dma_start3A_231 = arith.constant 0 : i32
      %dma_start3A_232 = arith.constant 0 : i32
      %dma_start3A_233 = tpu.memref_slice %arg6[%run_scoped3A_142, %dma_start3A_231, %dma_start3A_232] : memref<2x128x128xf32, #tpu.memory_space<vmem>> -> memref<1x128x128xf32, #tpu.memory_space<vmem>>
      %dma_start3A_234 = tpu.memref_squeeze %dma_start3A_233 : memref<1x128x128xf32, #tpu.memory_space<vmem>> -> memref<128x128xf32, #tpu.memory_space<vmem>>
      %dma_start3A_235 = arith.constant 0 : i32
      %dma_start3A_236 = tpu.memref_slice %arg4[%add3A_141, %dma_start3A_235] : memref<32768x128xf32, #tpu.memory_space<hbm>> -> memref<128x128xf32, #tpu.memory_space<hbm>>
      %dma_start3A_237 = arith.constant 0 : i32
      %dma_start3A_238 = tpu.memref_slice %arg4[%add3A_141, %dma_start3A_237] : memref<32768x128xf32, #tpu.memory_space<hbm>> -> memref<128x128xf32, #tpu.memory_space<hbm>>
      %dma_start3A_239 = arith.constant 0 : i32
      %dma_start3A_240 = arith.constant 0 : i32
      %dma_start3A_241 = tpu.memref_slice %arg6[%run_scoped3A_142, %dma_start3A_239, %dma_start3A_240] : memref<2x128x128xf32, #tpu.memory_space<vmem>> -> memref<1x128x128xf32, #tpu.memory_space<vmem>>
      %dma_start3A_242 = tpu.memref_squeeze %dma_start3A_241 : memref<1x128x128xf32, #tpu.memory_space<vmem>> -> memref<128x128xf32, #tpu.memory_space<vmem>>
      tpu.enqueue_dma source(%dma_start3A_242 : memref<128x128xf32, #tpu.memory_space<vmem>>) target(%dma_start3A_238 : memref<128x128xf32, #tpu.memory_space<hbm>>) target_semaphore(%run_scoped3A_230 : memref<!tpu.dma_semaphore, #tpu.memory_space<semaphore_mem>>)
      %dma_wait3A_243 = arith.constant 0 : i32
      %dma_wait3A_244 = arith.constant 0 : i32
      %dma_wait3A_245 = tpu.memref_slice %arg6[%run_scoped3A_142, %dma_wait3A_243, %dma_wait3A_244] : memref<2x128x128xf32, #tpu.memory_space<vmem>> -> memref<1x128x128xf32, #tpu.memory_space<vmem>>
      %dma_wait3A_246 = tpu.memref_squeeze %dma_wait3A_245 : memref<1x128x128xf32, #tpu.memory_space<vmem>> -> memref<128x128xf32, #tpu.memory_space<vmem>>
      %dma_wait3A_247 = arith.constant 0 : i32
      %dma_wait3A_248 = tpu.memref_slice %arg4[%add3A_141, %dma_wait3A_247] : memref<32768x128xf32, #tpu.memory_space<hbm>> -> memref<128x128xf32, #tpu.memory_space<hbm>>
      %dma_wait3A_249 = arith.constant 0 : i32
      %dma_wait3A_250 = tpu.memref_slice %arg4[%add3A_141, %dma_wait3A_249] : memref<32768x128xf32, #tpu.memory_space<hbm>> -> memref<128x128xf32, #tpu.memory_space<hbm>>
      %dma_wait3A_251 = arith.constant 0 : i32
      %dma_wait3A_252 = arith.constant 0 : i32
      %dma_wait3A_253 = tpu.memref_slice %arg6[%run_scoped3A_142, %dma_wait3A_251, %dma_wait3A_252] : memref<2x128x128xf32, #tpu.memory_space<vmem>> -> memref<1x128x128xf32, #tpu.memory_space<vmem>>
      %dma_wait3A_254 = tpu.memref_squeeze %dma_wait3A_253 : memref<1x128x128xf32, #tpu.memory_space<vmem>> -> memref<128x128xf32, #tpu.memory_space<vmem>>
      tpu.wait_dma2 semaphore(%run_scoped3A_230 : memref<!tpu.dma_semaphore, #tpu.memory_space<semaphore_mem>>) src(%dma_wait3A_254 : memref<128x128xf32, #tpu.memory_space<vmem>>) dst(%dma_wait3A_250 : memref<128x128xf32, #tpu.memory_space<hbm>>)
      tpu.yield
    }) : () -> ()
    %dma_start3A_143 = arith.constant 5 : i32
    %dma_start3A_144 = arith.constant 1 : i32
    %dma_start3A_145 = arith.constant 0 : i32
    %dma_start3A_146 = arith.constant 0 : i32
    %dma_start3A_147 = tpu.memref_slice %arg6[%dma_start3A_144, %dma_start3A_145, %dma_start3A_146] : memref<2x128x128xf32, #tpu.memory_space<vmem>> -> memref<1x128x128xf32, #tpu.memory_space<vmem>>
    %dma_start3A_148 = tpu.memref_squeeze %dma_start3A_147 : memref<1x128x128xf32, #tpu.memory_space<vmem>> -> memref<128x128xf32, #tpu.memory_space<vmem>>
    %dma_start3A_149 = arith.constant 0 : i32
    %dma_start3A_150 = tpu.memref_slice %arg5[%dma_start3A_143, %dma_start3A_149] : memref<8x128xi32, #tpu.memory_space<vmem>> -> memref<1x128xi32, #tpu.memory_space<vmem>>
    %dma_start3A_151 = tpu.memref_squeeze %dma_start3A_150 : memref<1x128xi32, #tpu.memory_space<vmem>> -> memref<128xi32, #tpu.memory_space<vmem>>
    %dma_start3A_152 = arith.constant 0 : i32
    %dma_start3A_153 = arith.constant 0 : i32
    %dma_start3A_154 = tpu.memref_slice %arg2[%dma_start3A_152, %dma_start3A_153] : memref<1024x128xf32, #tpu.memory_space<hbm>> -> memref<1024x128xf32, #tpu.memory_space<hbm>>
    tpu.enqueue_indirect_dma source(%dma_start3A_154 : memref<1024x128xf32, #tpu.memory_space<hbm>>) target(%dma_start3A_148 : memref<128x128xf32, #tpu.memory_space<vmem>>) offsets(%dma_start3A_151 : memref<128xi32, #tpu.memory_space<vmem>>) semaphore(%arg7 : memref<!tpu.dma_semaphore, #tpu.memory_space<semaphore_mem>>)
    %dma_wait3A_155 = arith.constant 5 : i32
    %dma_wait3A_156 = arith.constant 1 : i32
    %dma_wait3A_157 = arith.constant 0 : i32
    %dma_wait3A_158 = arith.constant 0 : i32
    %dma_wait3A_159 = tpu.memref_slice %arg6[%dma_wait3A_156, %dma_wait3A_157, %dma_wait3A_158] : memref<2x128x128xf32, #tpu.memory_space<vmem>> -> memref<1x128x128xf32, #tpu.memory_space<vmem>>
    %dma_wait3A_160 = tpu.memref_squeeze %dma_wait3A_159 : memref<1x128x128xf32, #tpu.memory_space<vmem>> -> memref<128x128xf32, #tpu.memory_space<vmem>>
    %dma_wait3A_161 = arith.constant 0 : i32
    %dma_wait3A_162 = tpu.memref_slice %arg5[%dma_wait3A_155, %dma_wait3A_161] : memref<8x128xi32, #tpu.memory_space<vmem>> -> memref<1x128xi32, #tpu.memory_space<vmem>>
    %dma_wait3A_163 = tpu.memref_squeeze %dma_wait3A_162 : memref<1x128xi32, #tpu.memory_space<vmem>> -> memref<128xi32, #tpu.memory_space<vmem>>
    %dma_wait3A_164 = arith.constant 0 : i32
    %dma_wait3A_165 = arith.constant 0 : i32
    %dma_wait3A_166 = tpu.memref_slice %arg2[%dma_wait3A_164, %dma_wait3A_165] : memref<1024x128xf32, #tpu.memory_space<hbm>> -> memref<1024x128xf32, #tpu.memory_space<hbm>>
    tpu.wait_indirect_dma semaphore(%arg7 : memref<!tpu.dma_semaphore, #tpu.memory_space<semaphore_mem>>) src(%dma_wait3A_166 : memref<1024x128xf32, #tpu.memory_space<hbm>>) dst(%dma_wait3A_160 : memref<128x128xf32, #tpu.memory_space<vmem>>)
    %mul3A_167 = arith.constant 1024 : i32
    %mul3A_168 = arith.muli %add3A, %mul3A_167 : i32
    %add3A_169 = arith.constant 640 : i32
    %add3A_170 = arith.addi %mul3A_168, %add3A_169 : i32
    %run_scoped3A_171 = arith.constant 1 : i32
    "tpu.region"() ({
      %run_scoped3A_230 = tpu.sem_alloc : memref<!tpu.dma_semaphore, #tpu.memory_space<semaphore_mem>>
      %dma_start3A_231 = arith.constant 0 : i32
      %dma_start3A_232 = arith.constant 0 : i32
      %dma_start3A_233 = tpu.memref_slice %arg6[%run_scoped3A_171, %dma_start3A_231, %dma_start3A_232] : memref<2x128x128xf32, #tpu.memory_space<vmem>> -> memref<1x128x128xf32, #tpu.memory_space<vmem>>
      %dma_start3A_234 = tpu.memref_squeeze %dma_start3A_233 : memref<1x128x128xf32, #tpu.memory_space<vmem>> -> memref<128x128xf32, #tpu.memory_space<vmem>>
      %dma_start3A_235 = arith.constant 0 : i32
      %dma_start3A_236 = tpu.memref_slice %arg4[%add3A_170, %dma_start3A_235] : memref<32768x128xf32, #tpu.memory_space<hbm>> -> memref<128x128xf32, #tpu.memory_space<hbm>>
      %dma_start3A_237 = arith.constant 0 : i32
      %dma_start3A_238 = tpu.memref_slice %arg4[%add3A_170, %dma_start3A_237] : memref<32768x128xf32, #tpu.memory_space<hbm>> -> memref<128x128xf32, #tpu.memory_space<hbm>>
      %dma_start3A_239 = arith.constant 0 : i32
      %dma_start3A_240 = arith.constant 0 : i32
      %dma_start3A_241 = tpu.memref_slice %arg6[%run_scoped3A_171, %dma_start3A_239, %dma_start3A_240] : memref<2x128x128xf32, #tpu.memory_space<vmem>> -> memref<1x128x128xf32, #tpu.memory_space<vmem>>
      %dma_start3A_242 = tpu.memref_squeeze %dma_start3A_241 : memref<1x128x128xf32, #tpu.memory_space<vmem>> -> memref<128x128xf32, #tpu.memory_space<vmem>>
      tpu.enqueue_dma source(%dma_start3A_242 : memref<128x128xf32, #tpu.memory_space<vmem>>) target(%dma_start3A_238 : memref<128x128xf32, #tpu.memory_space<hbm>>) target_semaphore(%run_scoped3A_230 : memref<!tpu.dma_semaphore, #tpu.memory_space<semaphore_mem>>)
      %dma_wait3A_243 = arith.constant 0 : i32
      %dma_wait3A_244 = arith.constant 0 : i32
      %dma_wait3A_245 = tpu.memref_slice %arg6[%run_scoped3A_171, %dma_wait3A_243, %dma_wait3A_244] : memref<2x128x128xf32, #tpu.memory_space<vmem>> -> memref<1x128x128xf32, #tpu.memory_space<vmem>>
      %dma_wait3A_246 = tpu.memref_squeeze %dma_wait3A_245 : memref<1x128x128xf32, #tpu.memory_space<vmem>> -> memref<128x128xf32, #tpu.memory_space<vmem>>
      %dma_wait3A_247 = arith.constant 0 : i32
      %dma_wait3A_248 = tpu.memref_slice %arg4[%add3A_170, %dma_wait3A_247] : memref<32768x128xf32, #tpu.memory_space<hbm>> -> memref<128x128xf32, #tpu.memory_space<hbm>>
      %dma_wait3A_249 = arith.constant 0 : i32
      %dma_wait3A_250 = tpu.memref_slice %arg4[%add3A_170, %dma_wait3A_249] : memref<32768x128xf32, #tpu.memory_space<hbm>> -> memref<128x128xf32, #tpu.memory_space<hbm>>
      %dma_wait3A_251 = arith.constant 0 : i32
      %dma_wait3A_252 = arith.constant 0 : i32
      %dma_wait3A_253 = tpu.memref_slice %arg6[%run_scoped3A_171, %dma_wait3A_251, %dma_wait3A_252] : memref<2x128x128xf32, #tpu.memory_space<vmem>> -> memref<1x128x128xf32, #tpu.memory_space<vmem>>
      %dma_wait3A_254 = tpu.memref_squeeze %dma_wait3A_253 : memref<1x128x128xf32, #tpu.memory_space<vmem>> -> memref<128x128xf32, #tpu.memory_space<vmem>>
      tpu.wait_dma2 semaphore(%run_scoped3A_230 : memref<!tpu.dma_semaphore, #tpu.memory_space<semaphore_mem>>) src(%dma_wait3A_254 : memref<128x128xf32, #tpu.memory_space<vmem>>) dst(%dma_wait3A_250 : memref<128x128xf32, #tpu.memory_space<hbm>>)
      tpu.yield
    }) : () -> ()
    %dma_start3A_172 = arith.constant 6 : i32
    %dma_start3A_173 = arith.constant 0 : i32
    %dma_start3A_174 = arith.constant 0 : i32
    %dma_start3A_175 = arith.constant 0 : i32
    %dma_start3A_176 = tpu.memref_slice %arg6[%dma_start3A_173, %dma_start3A_174, %dma_start3A_175] : memref<2x128x128xf32, #tpu.memory_space<vmem>> -> memref<1x128x128xf32, #tpu.memory_space<vmem>>
    %dma_start3A_177 = tpu.memref_squeeze %dma_start3A_176 : memref<1x128x128xf32, #tpu.memory_space<vmem>> -> memref<128x128xf32, #tpu.memory_space<vmem>>
    %dma_start3A_178 = arith.constant 0 : i32
    %dma_start3A_179 = tpu.memref_slice %arg5[%dma_start3A_172, %dma_start3A_178] : memref<8x128xi32, #tpu.memory_space<vmem>> -> memref<1x128xi32, #tpu.memory_space<vmem>>
    %dma_start3A_180 = tpu.memref_squeeze %dma_start3A_179 : memref<1x128xi32, #tpu.memory_space<vmem>> -> memref<128xi32, #tpu.memory_space<vmem>>
    %dma_start3A_181 = arith.constant 0 : i32
    %dma_start3A_182 = arith.constant 0 : i32
    %dma_start3A_183 = tpu.memref_slice %arg2[%dma_start3A_181, %dma_start3A_182] : memref<1024x128xf32, #tpu.memory_space<hbm>> -> memref<1024x128xf32, #tpu.memory_space<hbm>>
    tpu.enqueue_indirect_dma source(%dma_start3A_183 : memref<1024x128xf32, #tpu.memory_space<hbm>>) target(%dma_start3A_177 : memref<128x128xf32, #tpu.memory_space<vmem>>) offsets(%dma_start3A_180 : memref<128xi32, #tpu.memory_space<vmem>>) semaphore(%arg7 : memref<!tpu.dma_semaphore, #tpu.memory_space<semaphore_mem>>)
    %dma_wait3A_184 = arith.constant 6 : i32
    %dma_wait3A_185 = arith.constant 0 : i32
    %dma_wait3A_186 = arith.constant 0 : i32
    %dma_wait3A_187 = arith.constant 0 : i32
    %dma_wait3A_188 = tpu.memref_slice %arg6[%dma_wait3A_185, %dma_wait3A_186, %dma_wait3A_187] : memref<2x128x128xf32, #tpu.memory_space<vmem>> -> memref<1x128x128xf32, #tpu.memory_space<vmem>>
    %dma_wait3A_189 = tpu.memref_squeeze %dma_wait3A_188 : memref<1x128x128xf32, #tpu.memory_space<vmem>> -> memref<128x128xf32, #tpu.memory_space<vmem>>
    %dma_wait3A_190 = arith.constant 0 : i32
    %dma_wait3A_191 = tpu.memref_slice %arg5[%dma_wait3A_184, %dma_wait3A_190] : memref<8x128xi32, #tpu.memory_space<vmem>> -> memref<1x128xi32, #tpu.memory_space<vmem>>
    %dma_wait3A_192 = tpu.memref_squeeze %dma_wait3A_191 : memref<1x128xi32, #tpu.memory_space<vmem>> -> memref<128xi32, #tpu.memory_space<vmem>>
    %dma_wait3A_193 = arith.constant 0 : i32
    %dma_wait3A_194 = arith.constant 0 : i32
    %dma_wait3A_195 = tpu.memref_slice %arg2[%dma_wait3A_193, %dma_wait3A_194] : memref<1024x128xf32, #tpu.memory_space<hbm>> -> memref<1024x128xf32, #tpu.memory_space<hbm>>
    tpu.wait_indirect_dma semaphore(%arg7 : memref<!tpu.dma_semaphore, #tpu.memory_space<semaphore_mem>>) src(%dma_wait3A_195 : memref<1024x128xf32, #tpu.memory_space<hbm>>) dst(%dma_wait3A_189 : memref<128x128xf32, #tpu.memory_space<vmem>>)
    %mul3A_196 = arith.constant 1024 : i32
    %mul3A_197 = arith.muli %add3A, %mul3A_196 : i32
    %add3A_198 = arith.constant 768 : i32
    %add3A_199 = arith.addi %mul3A_197, %add3A_198 : i32
    %run_scoped3A_200 = arith.constant 0 : i32
    "tpu.region"() ({
      %run_scoped3A_230 = tpu.sem_alloc : memref<!tpu.dma_semaphore, #tpu.memory_space<semaphore_mem>>
      %dma_start3A_231 = arith.constant 0 : i32
      %dma_start3A_232 = arith.constant 0 : i32
      %dma_start3A_233 = tpu.memref_slice %arg6[%run_scoped3A_200, %dma_start3A_231, %dma_start3A_232] : memref<2x128x128xf32, #tpu.memory_space<vmem>> -> memref<1x128x128xf32, #tpu.memory_space<vmem>>
      %dma_start3A_234 = tpu.memref_squeeze %dma_start3A_233 : memref<1x128x128xf32, #tpu.memory_space<vmem>> -> memref<128x128xf32, #tpu.memory_space<vmem>>
      %dma_start3A_235 = arith.constant 0 : i32
      %dma_start3A_236 = tpu.memref_slice %arg4[%add3A_199, %dma_start3A_235] : memref<32768x128xf32, #tpu.memory_space<hbm>> -> memref<128x128xf32, #tpu.memory_space<hbm>>
      %dma_start3A_237 = arith.constant 0 : i32
      %dma_start3A_238 = tpu.memref_slice %arg4[%add3A_199, %dma_start3A_237] : memref<32768x128xf32, #tpu.memory_space<hbm>> -> memref<128x128xf32, #tpu.memory_space<hbm>>
      %dma_start3A_239 = arith.constant 0 : i32
      %dma_start3A_240 = arith.constant 0 : i32
      %dma_start3A_241 = tpu.memref_slice %arg6[%run_scoped3A_200, %dma_start3A_239, %dma_start3A_240] : memref<2x128x128xf32, #tpu.memory_space<vmem>> -> memref<1x128x128xf32, #tpu.memory_space<vmem>>
      %dma_start3A_242 = tpu.memref_squeeze %dma_start3A_241 : memref<1x128x128xf32, #tpu.memory_space<vmem>> -> memref<128x128xf32, #tpu.memory_space<vmem>>
      tpu.enqueue_dma source(%dma_start3A_242 : memref<128x128xf32, #tpu.memory_space<vmem>>) target(%dma_start3A_238 : memref<128x128xf32, #tpu.memory_space<hbm>>) target_semaphore(%run_scoped3A_230 : memref<!tpu.dma_semaphore, #tpu.memory_space<semaphore_mem>>)
      %dma_wait3A_243 = arith.constant 0 : i32
      %dma_wait3A_244 = arith.constant 0 : i32
      %dma_wait3A_245 = tpu.memref_slice %arg6[%run_scoped3A_200, %dma_wait3A_243, %dma_wait3A_244] : memref<2x128x128xf32, #tpu.memory_space<vmem>> -> memref<1x128x128xf32, #tpu.memory_space<vmem>>
      %dma_wait3A_246 = tpu.memref_squeeze %dma_wait3A_245 : memref<1x128x128xf32, #tpu.memory_space<vmem>> -> memref<128x128xf32, #tpu.memory_space<vmem>>
      %dma_wait3A_247 = arith.constant 0 : i32
      %dma_wait3A_248 = tpu.memref_slice %arg4[%add3A_199, %dma_wait3A_247] : memref<32768x128xf32, #tpu.memory_space<hbm>> -> memref<128x128xf32, #tpu.memory_space<hbm>>
      %dma_wait3A_249 = arith.constant 0 : i32
      %dma_wait3A_250 = tpu.memref_slice %arg4[%add3A_199, %dma_wait3A_249] : memref<32768x128xf32, #tpu.memory_space<hbm>> -> memref<128x128xf32, #tpu.memory_space<hbm>>
      %dma_wait3A_251 = arith.constant 0 : i32
      %dma_wait3A_252 = arith.constant 0 : i32
      %dma_wait3A_253 = tpu.memref_slice %arg6[%run_scoped3A_200, %dma_wait3A_251, %dma_wait3A_252] : memref<2x128x128xf32, #tpu.memory_space<vmem>> -> memref<1x128x128xf32, #tpu.memory_space<vmem>>
      %dma_wait3A_254 = tpu.memref_squeeze %dma_wait3A_253 : memref<1x128x128xf32, #tpu.memory_space<vmem>> -> memref<128x128xf32, #tpu.memory_space<vmem>>
      tpu.wait_dma2 semaphore(%run_scoped3A_230 : memref<!tpu.dma_semaphore, #tpu.memory_space<semaphore_mem>>) src(%dma_wait3A_254 : memref<128x128xf32, #tpu.memory_space<vmem>>) dst(%dma_wait3A_250 : memref<128x128xf32, #tpu.memory_space<hbm>>)
      tpu.yield
    }) : () -> ()
    %dma_start3A_201 = arith.constant 7 : i32
    %dma_start3A_202 = arith.constant 1 : i32
    %dma_start3A_203 = arith.constant 0 : i32
    %dma_start3A_204 = arith.constant 0 : i32
    %dma_start3A_205 = tpu.memref_slice %arg6[%dma_start3A_202, %dma_start3A_203, %dma_start3A_204] : memref<2x128x128xf32, #tpu.memory_space<vmem>> -> memref<1x128x128xf32, #tpu.memory_space<vmem>>
    %dma_start3A_206 = tpu.memref_squeeze %dma_start3A_205 : memref<1x128x128xf32, #tpu.memory_space<vmem>> -> memref<128x128xf32, #tpu.memory_space<vmem>>
    %dma_start3A_207 = arith.constant 0 : i32
    %dma_start3A_208 = tpu.memref_slice %arg5[%dma_start3A_201, %dma_start3A_207] : memref<8x128xi32, #tpu.memory_space<vmem>> -> memref<1x128xi32, #tpu.memory_space<vmem>>
    %dma_start3A_209 = tpu.memref_squeeze %dma_start3A_208 : memref<1x128xi32, #tpu.memory_space<vmem>> -> memref<128xi32, #tpu.memory_space<vmem>>
    %dma_start3A_210 = arith.constant 0 : i32
    %dma_start3A_211 = arith.constant 0 : i32
    %dma_start3A_212 = tpu.memref_slice %arg2[%dma_start3A_210, %dma_start3A_211] : memref<1024x128xf32, #tpu.memory_space<hbm>> -> memref<1024x128xf32, #tpu.memory_space<hbm>>
    tpu.enqueue_indirect_dma source(%dma_start3A_212 : memref<1024x128xf32, #tpu.memory_space<hbm>>) target(%dma_start3A_206 : memref<128x128xf32, #tpu.memory_space<vmem>>) offsets(%dma_start3A_209 : memref<128xi32, #tpu.memory_space<vmem>>) semaphore(%arg7 : memref<!tpu.dma_semaphore, #tpu.memory_space<semaphore_mem>>)
    %dma_wait3A_213 = arith.constant 7 : i32
    %dma_wait3A_214 = arith.constant 1 : i32
    %dma_wait3A_215 = arith.constant 0 : i32
    %dma_wait3A_216 = arith.constant 0 : i32
    %dma_wait3A_217 = tpu.memref_slice %arg6[%dma_wait3A_214, %dma_wait3A_215, %dma_wait3A_216] : memref<2x128x128xf32, #tpu.memory_space<vmem>> -> memref<1x128x128xf32, #tpu.memory_space<vmem>>
    %dma_wait3A_218 = tpu.memref_squeeze %dma_wait3A_217 : memref<1x128x128xf32, #tpu.memory_space<vmem>> -> memref<128x128xf32, #tpu.memory_space<vmem>>
    %dma_wait3A_219 = arith.constant 0 : i32
    %dma_wait3A_220 = tpu.memref_slice %arg5[%dma_wait3A_213, %dma_wait3A_219] : memref<8x128xi32, #tpu.memory_space<vmem>> -> memref<1x128xi32, #tpu.memory_space<vmem>>
    %dma_wait3A_221 = tpu.memref_squeeze %dma_wait3A_220 : memref<1x128xi32, #tpu.memory_space<vmem>> -> memref<128xi32, #tpu.memory_space<vmem>>
    %dma_wait3A_222 = arith.constant 0 : i32
    %dma_wait3A_223 = arith.constant 0 : i32
    %dma_wait3A_224 = tpu.memref_slice %arg2[%dma_wait3A_222, %dma_wait3A_223] : memref<1024x128xf32, #tpu.memory_space<hbm>> -> memref<1024x128xf32, #tpu.memory_space<hbm>>
    tpu.wait_indirect_dma semaphore(%arg7 : memref<!tpu.dma_semaphore, #tpu.memory_space<semaphore_mem>>) src(%dma_wait3A_224 : memref<1024x128xf32, #tpu.memory_space<hbm>>) dst(%dma_wait3A_218 : memref<128x128xf32, #tpu.memory_space<vmem>>)
    %mul3A_225 = arith.constant 1024 : i32
    %mul3A_226 = arith.muli %add3A, %mul3A_225 : i32
    %add3A_227 = arith.constant 896 : i32
    %add3A_228 = arith.addi %mul3A_226, %add3A_227 : i32
    %run_scoped3A_229 = arith.constant 1 : i32
    "tpu.region"() ({
      %run_scoped3A_230 = tpu.sem_alloc : memref<!tpu.dma_semaphore, #tpu.memory_space<semaphore_mem>>
      %dma_start3A_231 = arith.constant 0 : i32
      %dma_start3A_232 = arith.constant 0 : i32
      %dma_start3A_233 = tpu.memref_slice %arg6[%run_scoped3A_229, %dma_start3A_231, %dma_start3A_232] : memref<2x128x128xf32, #tpu.memory_space<vmem>> -> memref<1x128x128xf32, #tpu.memory_space<vmem>>
      %dma_start3A_234 = tpu.memref_squeeze %dma_start3A_233 : memref<1x128x128xf32, #tpu.memory_space<vmem>> -> memref<128x128xf32, #tpu.memory_space<vmem>>
      %dma_start3A_235 = arith.constant 0 : i32
      %dma_start3A_236 = tpu.memref_slice %arg4[%add3A_228, %dma_start3A_235] : memref<32768x128xf32, #tpu.memory_space<hbm>> -> memref<128x128xf32, #tpu.memory_space<hbm>>
      %dma_start3A_237 = arith.constant 0 : i32
      %dma_start3A_238 = tpu.memref_slice %arg4[%add3A_228, %dma_start3A_237] : memref<32768x128xf32, #tpu.memory_space<hbm>> -> memref<128x128xf32, #tpu.memory_space<hbm>>
      %dma_start3A_239 = arith.constant 0 : i32
      %dma_start3A_240 = arith.constant 0 : i32
      %dma_start3A_241 = tpu.memref_slice %arg6[%run_scoped3A_229, %dma_start3A_239, %dma_start3A_240] : memref<2x128x128xf32, #tpu.memory_space<vmem>> -> memref<1x128x128xf32, #tpu.memory_space<vmem>>
      %dma_start3A_242 = tpu.memref_squeeze %dma_start3A_241 : memref<1x128x128xf32, #tpu.memory_space<vmem>> -> memref<128x128xf32, #tpu.memory_space<vmem>>
      tpu.enqueue_dma source(%dma_start3A_242 : memref<128x128xf32, #tpu.memory_space<vmem>>) target(%dma_start3A_238 : memref<128x128xf32, #tpu.memory_space<hbm>>) target_semaphore(%run_scoped3A_230 : memref<!tpu.dma_semaphore, #tpu.memory_space<semaphore_mem>>)
      %dma_wait3A_243 = arith.constant 0 : i32
      %dma_wait3A_244 = arith.constant 0 : i32
      %dma_wait3A_245 = tpu.memref_slice %arg6[%run_scoped3A_229, %dma_wait3A_243, %dma_wait3A_244] : memref<2x128x128xf32, #tpu.memory_space<vmem>> -> memref<1x128x128xf32, #tpu.memory_space<vmem>>
      %dma_wait3A_246 = tpu.memref_squeeze %dma_wait3A_245 : memref<1x128x128xf32, #tpu.memory_space<vmem>> -> memref<128x128xf32, #tpu.memory_space<vmem>>
      %dma_wait3A_247 = arith.constant 0 : i32
      %dma_wait3A_248 = tpu.memref_slice %arg4[%add3A_228, %dma_wait3A_247] : memref<32768x128xf32, #tpu.memory_space<hbm>> -> memref<128x128xf32, #tpu.memory_space<hbm>>
      %dma_wait3A_249 = arith.constant 0 : i32
      %dma_wait3A_250 = tpu.memref_slice %arg4[%add3A_228, %dma_wait3A_249] : memref<32768x128xf32, #tpu.memory_space<hbm>> -> memref<128x128xf32, #tpu.memory_space<hbm>>
      %dma_wait3A_251 = arith.constant 0 : i32
      %dma_wait3A_252 = arith.constant 0 : i32
      %dma_wait3A_253 = tpu.memref_slice %arg6[%run_scoped3A_229, %dma_wait3A_251, %dma_wait3A_252] : memref<2x128x128xf32, #tpu.memory_space<vmem>> -> memref<1x128x128xf32, #tpu.memory_space<vmem>>
      %dma_wait3A_254 = tpu.memref_squeeze %dma_wait3A_253 : memref<1x128x128xf32, #tpu.memory_space<vmem>> -> memref<128x128xf32, #tpu.memory_space<vmem>>
      tpu.wait_dma2 semaphore(%run_scoped3A_230 : memref<!tpu.dma_semaphore, #tpu.memory_space<semaphore_mem>>) src(%dma_wait3A_254 : memref<128x128xf32, #tpu.memory_space<vmem>>) dst(%dma_wait3A_250 : memref<128x128xf32, #tpu.memory_space<hbm>>)
      tpu.yield
    }) : () -> ()
    return
  }
}

module attributes {stable_mosaic.version = 14 : i64} {
  func.func @_dist_argmin_block(%arg0: i32, %arg1: memref<512x64xf32, #tpu.memory_space<vmem>>, %arg2: memref<64x1024xf32, #tpu.memory_space<vmem>>, %arg3: memref<1x1x512xi32, #tpu.memory_space<vmem>>, %arg4: memref<1x1024xf32, #tpu.memory_space<vmem>>) attributes {dimension_semantics = [#tpu.dimension_semantics<arbitrary>], iteration_bounds = array<i64: 64>, scalar_prefetch = 0 : i64, scratch_operands = 1 : i64, tpu.core_type = #tpu.core_type<tc>, window_params = [{transform_indices = @transform_0, window_bounds = array<i64: 512, 64>}, {pipeline_mode = #tpu.pipeline_mode<synchronous>, transform_indices = @transform_1, window_bounds = array<i64: 64, 1024>}, {transform_indices = @transform_2, window_bounds = array<i64: 1, 1, 512>}]} {
    %eq3A = arith.constant 0 : i32
    %eq3A_0 = arith.cmpi eq, %arg0, %eq3A : i32
    %convert_element_type3A = arith.extui %eq3A_0 : i1 to i32
    %cond3A = arith.constant 0 : i32
    %cond3A_1 = arith.cmpi ne, %convert_element_type3A, %cond3A : i32
    scf.if %cond3A_1 {
      %get3A_17 = arith.constant 0 : index
      %get3A_18 = arith.constant 0 : index
      %get3A_19 = vector.load %arg2[%get3A_17, %get3A_18] : memref<64x1024xf32, #tpu.memory_space<vmem>>, vector<64x1024xf32>
      %mul3A = arith.mulf %get3A_19, %get3A_19 : vector<64x1024xf32>
      %reduce_sum3A = arith.constant dense<0.000000e+00> : vector<1024xf32>
      %reduce_sum3A_20 = vector.multi_reduction <add>, %mul3A, %reduce_sum3A [0] : vector<64x1024xf32> to vector<1024xf32>
      %broadcast_in_dim3A = vector.shape_cast %reduce_sum3A_20 : vector<1024xf32> to vector<1x1024xf32>
      %swap3A_21 = arith.constant 0 : index
      %swap3A_22 = arith.constant 0 : index
      %swap3A_23 = vector.load %arg4[%swap3A_21, %swap3A_22] : memref<1x1024xf32, #tpu.memory_space<vmem>>, vector<1x1024xf32>
      tpu.vector_store %arg4[%swap3A_21, %swap3A_22], %broadcast_in_dim3A {strides = array<i32>} : memref<1x1024xf32, #tpu.memory_space<vmem>>, vector<1x1024xf32>,
    } else {
    }
    %get3A = arith.constant 0 : index
    %get3A_2 = arith.constant 0 : index
    %get3A_3 = vector.load %arg1[%get3A, %get3A_2] : memref<512x64xf32, #tpu.memory_space<vmem>>, vector<512x64xf32>
    %get3A_4 = arith.constant 0 : index
    %get3A_5 = arith.constant 0 : index
    %get3A_6 = vector.load %arg2[%get3A_4, %get3A_5] : memref<64x1024xf32, #tpu.memory_space<vmem>>, vector<64x1024xf32>
    %dot_general3A = arith.constant dense<0.000000e+00> : vector<512x1024xf32>
    %dot_general3A_7 = tpu.matmul %get3A_3, %get3A_6, %dot_general3A {dimension_numbers = #tpu.dot_dimension_numbers<[1], [0], [0], [1], [0, 0, 1, 1], [], []>, transpose_lhs_hint = false} : vector<512x64xf32>, vector<64x1024xf32>, vector<512x1024xf32> -> vector<512x1024xf32>
    %add3A = arith.addf %dot_general3A_7, %dot_general3A_7 : vector<512x1024xf32>
    %get3A_8 = arith.constant 0 : index
    %get3A_9 = arith.constant 0 : index
    %get3A_10 = vector.load %arg4[%get3A_8, %get3A_9] : memref<1x1024xf32, #tpu.memory_space<vmem>>, vector<1x1024xf32>
    %sub3A = vector.broadcast %get3A_10 : vector<1x1024xf32> to vector<512x1024xf32>
    %sub3A_11 = arith.subf %add3A, %sub3A : vector<512x1024xf32>
    %argmax3A = tpu.reduce_index %sub3A_11 {axis = 1 : i32, kind = #tpu.reduction_kind<arg_max>} : vector<512x1024xf32> -> vector<512xi32>
    %swap3A = arith.constant 0 : index
    %swap3A_12 = arith.constant 0 : index
    %swap3A_13 = arith.constant 0 : index
    %swap3A_14 = vector.load %arg3[%swap3A, %swap3A_12, %swap3A_13] : memref<1x1x512xi32, #tpu.memory_space<vmem>>, vector<1x1x512xi32>
    %swap3A_15 = vector.shape_cast %swap3A_14 : vector<1x1x512xi32> to vector<512xi32>
    %swap3A_16 = vector.shape_cast %argmax3A : vector<512xi32> to vector<1x1x512xi32>
    tpu.vector_store %arg3[%swap3A, %swap3A_12, %swap3A_13], %swap3A_16 {strides = array<i32>} : memref<1x1x512xi32, #tpu.memory_space<vmem>>, vector<1x1x512xi32>,
    return
  }
  func.func @transform_0(%arg0: i32) -> (i32, i32) {
    %c0_i32 = arith.constant 0 : i32
    %c0_i32_0 = arith.constant 0 : i32
    return %arg0, %c0_i32 : i32, i32
  }
  func.func @transform_1(%arg0: i32) -> (i32, i32) {
    %c0_i32 = arith.constant 0 : i32
    %c0_i32_0 = arith.constant 0 : i32
    %c0_i32_1 = arith.constant 0 : i32
    return %c0_i32, %c0_i32_0 : i32, i32
  }
  func.func @transform_2(%arg0: i32) -> (i32, i32, i32) {
    %c0_i32 = arith.constant 0 : i32
    %c0_i32_0 = arith.constant 0 : i32
    %c0_i32_1 = arith.constant 0 : i32
    return %arg0, %c0_i32, %c0_i32_0 : i32, i32, i32
  }
}

</mosaic_0001>

<sc_bundles>
// kernel: kernel.4.cloned.1.call-start
scs
__scs_entry_jumppad:
0x0: {  	(pc) =	sbr.rel $0x88, $3  }
0x1: {  	(tag) =	ssettag $0x0;
	lr =	simm.s32 $0x1  }
0x2: {  	[smem:$0x3F9F] =	sst lr;
	_ =	strace $0xD0000000  }
0x3: {  	_ = 	snop  }
0x4: {  	_ = 	snop  }
0x5: {  	_ = 	snop  }
0x6: {  	_ = 	snop  }
0x7: {  	_ = 	snop  }
__scs_overlays_trampoline_lowered:
0x8: {  	[smem:$0x3FAE] =	sst s0  }
0x9: {  	[smem:$0x3FAF] =	sst s1  }
0xa: {  	[smem:$0x3FB0] =	sst s2  }
0xb: {  	[smem:$0x3FB1] =	sst s3  }
0xc: {  	[smem:$0x3FB2] =	sst s4  }
0xd: {  	[smem:$0x3FB3] =	sst s5  }
0xe: {  	[smem:$0x3FB4] =	sst s6  }
0xf: {  	[smem:$0x3FB5] =	sst s7  }
0x10: {  	[smem:$0x3FB6] =	sst s8  }
0x11: {  	[smem:$0x3FB7] =	sst s9;
	s0 =	simm.s32 @!p0 $0x0  }
0x12: {  	s1 =	sld [smem:$0x3F9D];
	s0 =	simm.s32 @p0 $0x1  }
0x13: {  	[smem:$0x3FB8] =	sst s0;
	s0 =	simm.s32 @!p1 $0x0  }
0x14: {  	s2 =	sld [smem:$0x3F9C];
	s0 =	simm.s32 @p1 $0x1  }
0x15: {  	[smem:$0x3FB9] =	sst s0;
	s0 =	simm.s32 @!p2 $0x0  }
0x16: {  	s3 =	sld [smem:$0x3FDB];
	s0 =	simm.s32 @p2 $0x1  }
0x17: {  	s4 =	simm.s32 $0x1BF5;
	[smem:$0x3FBB] =	sst s0  }
0x18: {  	s0 =	sld [smem:$0x3F9E];
	_ =	swait.ge [sflag:s4], $0x0  }
0x19: {  	s7 =	sld [smem:$0x3F9F]  }
0x1a: {  	s8 =	sadd.s32 $0xFFFFE003, lr  }
0x1b: {  	s9 =	sadd.s32 $0xFFFFFEF7, lr;
	s5 =	simm.s32 $0xFFFFFFFF;
	p2 =	slt.u32 s8, $0xFFFFF086  }
0x1c: {  	p1 =	slt.u32 s9, $0xF7A;
	s5 =	simm.s32 @!p2 $0x0  }
0x1d: {  	s5 =	simm.s32 @p1 $0x1;
	p0 =	seq.s32 s7, s2  }
0x1e: {  	s7 =	smul.u32 @!p0 $0xF7A, s2;
	p2 =	seq.s32 @!p0 s5, $0x0  }
0x1f: {  	s9 =	smul.u32 $0xF7A, s1;
	s8 =	simm.s32 @!p0 $0x1BF5;
	p2 =	por !p2, p0  }
0x20: {  	[sflag:s8] =	ssyncset.s32 @!p0 $0xFFFFF086;
	s6 =	sadd.s32 @!p0 s3, s7;
	s7 =	simm.s32 @!p0 $0x108  }
0x21: {  	s3 =	sadd.s32 s3, s9;
	s6 =	sadd.s32 @!p0 $0x88, s6;
	s7 =	simm.s32 @p2 $0x1082  }
0x22: {  	[simem:s7], [sflag:s8] =	dma.local @!p0 [hbm:s6], $0xF7A  }
0x23: {  	s9 =	sor.u32 $0xD0000000, s2;
	s6 =	simm.s32 $0x108;
	_ =	swait.ge @!p0 [sflag:s8], $0x0  }
0x24: {  	s3 =	sadd.s32 $0x88, s3;
	s6 =	simm.s32 @!p1 $0x1082;
	[sflag:s4] =	ssyncset.s32 $0xFFFFF086  }
0x25: {  	[simem:s6], [sflag:s4] =	dma.local [hbm:s3], $0xF7A  }
0x26: {  	[smem:$0x3F9F] =	sst s1;
	(tag) =	ssettag s2;
	_ =	strace s9  }
0x27: {  	s1 =	sld [smem:$0x3FAF]  }
0x28: {  	s2 =	sld [smem:$0x3FB0]  }
0x29: {  	s4 =	sld [smem:$0x3FB2]  }
0x2a: {  	p0 =	seq.s32 s5, $0x0;
	s5 =	sld [smem:$0x3FB3]  }
0x2b: {  	s6 =	sld [smem:$0x3FB4]  }
0x2c: {  	s7 =	sld [smem:$0x3FB5]  }
0x2d: {  	s3 =	simm.s32 $0x108;
	s8 =	sld [smem:$0x3FB6]  }
0x2e: {  	s3 =	simm.s32 @!p0 $0x1082;
	s9 =	sld [smem:$0x3FB7]  }
0x2f: {  	lr =	sadd.s32 s0, s3;
	s0 =	sld [smem:$0x3FAE]  }
0x30: {  	s3 =	sld [smem:$0x3FB1]  }
0x31: {  	[smem:$0x3FBA] =	sst s10  }
0x32: {  	s10 =	sld [smem:$0x3FB8];
	_ =	sdelay $0x3  }
0x33: {  	p0 =	seq.s32 s10, $0x1;
	s10 =	sld [smem:$0x3FBA];
	_ =	sdelay $0x3  }
0x34: {  	[smem:$0x3FBA] =	sst s10  }
0x35: {  	s10 =	sld [smem:$0x3FB9];
	_ =	sdelay $0x3  }
0x36: {  	p1 =	seq.s32 s10, $0x1;
	s10 =	sld [smem:$0x3FBA];
	_ =	sdelay $0x3  }
0x37: {  	[smem:$0x3FBA] =	sst s10  }
0x38: {  	s10 =	sld [smem:$0x3FBB]  }
0x39: {  	_ = 	snop;
	(pc) =	sbr.ind lr, $3  }
0x3a: {  	_ = 	snop  }
0x3b: {  	_ = 	snop  }
0x3c: {  	p2 =	seq.s32 s10, $0x1;
	s10 =	sld [smem:$0x3FBA]  }
0x3d: {  	_ =	shalt  }
0x3e: {  	_ =	shalt  }
0x3f: {  	_ =	shalt  }
0x40: {  	_ =	shalt  }
0x41: {  	_ =	shalt  }
0x42: {  	_ =	shalt  }
0x43: {  	_ =	shalt  }
0x44: {  	_ =	shalt  }
0x45: {  	_ =	shalt  }
0x46: {  	_ =	shalt  }
0x47: {  	_ =	shalt  }
0x48: {  	_ =	shalt  }
0x49: {  	_ =	shalt  }
0x4a: {  	_ =	shalt  }
0x4b: {  	_ =	shalt  }
0x4c: {  	_ =	shalt  }
0x4d: {  	_ =	shalt  }
0x4e: {  	_ =	shalt  }
0x4f: {  	_ =	shalt  }
0x50: {  	_ =	shalt  }
0x51: {  	_ =	shalt  }
0x52: {  	_ =	shalt  }
0x53: {  	_ =	shalt  }
0x54: {  	_ =	shalt  }
0x55: {  	_ =	shalt  }
0x56: {  	_ =	shalt  }
0x57: {  	_ =	shalt  }
0x58: {  	_ =	shalt  }
0x59: {  	_ =	shalt  }
0x5a: {  	_ =	shalt  }
0x5b: {  	_ =	shalt  }
0x5c: {  	_ =	shalt  }
0x5d: {  	_ =	shalt  }
0x5e: {  	_ =	shalt  }
0x5f: {  	_ =	shalt  }
0x60: {  	_ =	shalt  }
0x61: {  	_ =	shalt  }
0x62: {  	_ =	shalt  }
0x63: {  	_ =	shalt  }
0x64: {  	_ =	shalt  }
0x65: {  	_ =	shalt  }
0x66: {  	_ =	shalt  }
0x67: {  	_ =	shalt  }
0x68: {  	_ =	shalt  }
0x69: {  	_ =	shalt  }
0x6a: {  	_ =	shalt  }
0x6b: {  	_ =	shalt  }
0x6c: {  	_ =	shalt  }
0x6d: {  	_ =	shalt  }
0x6e: {  	_ =	shalt  }
0x6f: {  	_ =	shalt  }
0x70: {  	_ =	shalt  }
0x71: {  	_ =	shalt  }
0x72: {  	_ =	shalt  }
0x73: {  	_ =	shalt  }
0x74: {  	_ =	shalt  }
0x75: {  	_ =	shalt  }
0x76: {  	_ =	shalt  }
0x77: {  	_ =	shalt  }
0x78: {  	_ =	shalt  }
0x79: {  	_ =	shalt  }
0x7a: {  	_ =	shalt  }
0x7b: {  	_ =	shalt  }
0x7c: {  	_ =	shalt  }
0x7d: {  	_ =	shalt  }
0x7e: {  	_ =	shalt  }
0x7f: {  	_ =	shalt  }
0x80: {  	_ =	shalt  }
0x81: {  	_ =	shalt  }
0x82: {  	_ =	shalt  }
0x83: {  	_ =	shalt  }
0x84: {  	_ =	shalt  }
0x85: {  	_ =	shalt  }
0x86: {  	_ =	shalt  }
0x87: {  	_ =	shalt  }
.Lfunc_end0:
.L_simem_size_0:
called_computation_lowered:
.L_overlay_start_0:
0x88: {  	s2 =	sld [smem:$0x3FD9]  }
0x89: {  	s3 =	sld [smem:$0x3FFE];
	_ =	sdelay $0x1  }
0x8a: {  	s1 =	srdreg.scid  }
0x8b: {  	s0 =	sand.u32 $0x1, s1  }
0x8c: {  	s17 =	sshll.u32 s0, $0xA;
	s2 =	sadd.s32 s3, s2  }
0x8d: {  	s2 =	sadd.s32 s2, s17  }
0x8e: {  	[smem:$0x3FC6] =	sst s2  }
0x8f: {  	_ = 	snop  }
0x90: {  	s2 =	sld [smem:$0x3FD0];
	(tm) =	ssettm $0x1  }
0x91: {  	s18 =	sld [smem:$0x3FFB];
	_ =	sdelay $0x3  }
0x92: {  	_ =	strace s18  }
0x93: {  	s3 =	sld [smem:$0x3FFC];
	_ =	sdelay $0x3  }
0x94: {  	_ =	strace s3  }
0x95: {  	s3 =	sld [smem:$0x3FFD];
	_ =	sdelay $0x3  }
0x96: {  	_ =	strace s3  }
0x97: {  	_ =	strace $0x8FFFFFFF  }
0x98: {  	s19 =	sld [smem:$0x3FDB];
	_ =	sdelay $0x1  }
0x99: {  	s4 =	simm.s32 $_scs_section_size  }
0x9a: {  	s5 =	simm.s32 $_size__tile_overlayer_lowered;
	s6 =	simm.s32 $_tile_overlayer_lowered  }
0x9b: {  	s22 =	simm.s32 $0x1BFF;
	s21 =	sshll.u32 s6, $0x1;
	s3 =	sadd.s32 s4, s19  }
0x9c: {  	s7 =	simm.s32 $0x0;
	s20 =	sshll.u32 s5, $0x1;
	s5 =	sadd.s32 s21, s3  }
0x9d: {  	[timem:s7], [sflag:s22] =	dma.local [hbm:s5], s20  }
0x9e: {  	_ =	swait.ge [sflag:s22], s20  }
0x9f: {  	s4 =	ssub.s32 $0x0, s20;
	[sflag:s22] =	ssyncset.done $0x0  }
0xa0: {  	[sflag:s22] =	ssyncadd.s32 s4;
	_ =	sdelay $0x1  }
0xa1: {  	s23 =	simm.s32 $0x1B8B  }
0xa2: {  	_ =	swait.ge [sflag:s23], $0x1  }
0xa3: {  	[sflag:s23] =	ssyncset.done $0x0  }
0xa4: {  	s25 =	simm.s32 $0x1B8E;
	s24 =	sld [smem:$0x3FFE];
	[sflag:s23] =	ssyncadd.s32 $0xFFFFFFFF  }
0xa5: {  	s26 =	simm.s32 $execute0_lowered;
	[smem:$0x3FD2] =	sst s25  }
0xa6: {  	s5 =	sshll.u32 s26, $0x1;
	_ =	strace $0x80000046;
	[dreg:$0x1] =	wrdreg $0xFFFFFFFF  }
0xa7: {  	s28 =	simm.s32 $_size_execute0_lowered;
	s3 =	sadd.s32 s3, s5;
	[dreg:$0x0] =	wrdreg $0x0  }
0xa8: {  	s5 =	sshll.u32 s28, $0x1;
	[dreg:$0x2] =	wrdreg s3  }
0xa9: {  	[dreg:$0x3] =	wrdreg s5  }
0xaa: {  	[dreg:$0x4] =	wrdreg $0xC0  }
0xab: {  	_ =	task [dreg:s7], $0x5FFFF  }
0xac: {  	[dreg:$0x1] =	wrdreg $0xFFFFFFFF  }
0xad: {  	[dreg:$0x0] =	wrdreg $0x60  }
0xae: {  	[dreg:$0x2] =	wrdreg s24  }
0xaf: {  	[dreg:$0x3] =	wrdreg s2  }
0xb0: {  	[dreg:$0x4] =	wrdreg $0x9  }
0xb1: {  	_ =	task.clear_ibuf [dreg:s7], $0x5FFFF;
	_ =	strace $0x90000046  }
0xb2: {  	s29 =	simm.s32 $0x9;
	_ =	strace $0x80000048  }
0xb3: {  	_ =	swait.ge [sflag:s29], $0x1  }
0xb4: {  	[sflag:s29] =	ssyncadd.s32 $0xFFFFFFFF  }
0xb5: {  	_ =	strace $0x90000048  }
0xb6: {  	_ =	sfence  }
0xb7: {  	s30 =	sld [smem:$0x0];
	_ =	sdelay $0x2  }
0xb8: {  	s31 =	sshll.u32 s1, $0xD;
	s1 =	sshrl.u32 s1, $0x2  }
0xb9: {  	s3 =	sand.u32 $0x4000, s31;
	s1 =	sadd.s32 s1, s30  }
0xba: {  	s0 =	sor.u32 s3, s0;
	s1 =	sshll.u32 s1, $0x11  }
0xbb: {  	s0 =	sor.u32 s1, s0  }
0xbc: {  	s0 =	sadd.s32 $0x8F2B, s0  }
0xbd: {  	[sflag:s0] =	ssyncadd.remote.s32 $0x1  }
0xbe: {  	_ =	sfence.sel $0xFFFF  }
0xbf: {  	[dreg:$0x0] =	wrdreg $0xFFFFFFFF;
	(pc) =	sbr.abs _section_cstart, $3  }
0xc0: {  	[dreg:$0x1] =	wrdreg $0xFFFFFFFF  }
0xc1: {  	_ =	task.clear_ibuf [dreg:s7], $0x2FFFF;
	_ =	strace $0x9FFFFFFF  }
0xc2: {  	(tm) =	ssettm $0x7FFFFFFF  }
0xc3: {  	_ =	shalt  }
tec
execute0_lowered:
.L_overlay_start_1:
0x0: {  	(tag) =	ssettag $0x1  }
0x1: {  	s1 =	srdreg.scid  }
0x2: {  	s0 =	stileid.u32;
	s22 =	sand.u32 $0x1, s1  }
0x3: {  	s5 =	rddreg [dreg:$0x0];
	s31 =	sshll.u32 s0, $0xB;
	s2 =	sshll.u32 s22, $0xA  }
0x4: {  	s9 =	rddreg [dreg:$0x1];
	s10 =	sor.u32 s2, s31  }
0x5: {  	s1 =	rddreg [dreg:$0x2];
	s2 =	simm.s32 $0x0;
	s3 =	sshrl.u32 s10, $0x3  }
0x6: {  	[smem:$0x7FF] =	sst s2;
	s3 =	sadd.s32 s3, s5  }
0x7: {  	_ =	strace $0x80000047;
	s4 =	sadd.s32 $0xA00, s3;
	s3 =	simm.s32 $0x2  }
0x8: {  	[tilespmem:s2], [sflag:$0x2] =	stream.linear.gather [hbm4b:s4+s2], $0x400, $0x38;
	[tilespmem:$0x8400] =	vst v63  }
0x9: {  	_ =	swait.ge [sflag:s3], $0x400  }
0xa: {  	s6 =	simm.s32 $0x80;
	s7 =	simm.s32 $0x400;
	[sflag:s3] =	ssyncset.done $0x0  }
0xb: {  	s8 =	simm.s32 $0x1;
	s5 =	sadd.s32 $0x1A00, s5;
	[sflag:s3] =	ssyncadd.s32 $0xFFFFFC00  }
0xc: {  	[tilespmem:s7], [sflag:$0x1] =	stream.indirect.gather [hbm4b:s5+s6], $0x80, s2, s6, $0xb8;
	[tilespmem:$0x8400] =	vst v63  }
0xd: {  	_ =	swait.ge [sflag:s8], $0x4000  }
0xe: {  	s10 =	sshll.u32 s10, $0x4;
	[sflag:s8] =	ssyncset.done $0x0  }
0xf: {  	s9 =	sadd.s32 s9, s10;
	[sflag:s8] =	ssyncadd.s32 $0xFFFFC000  }
0x10: {  	[hbm4b:s9+s2] =	stream.linear.scatter [tilespmem:s7], [sflag:$0x2], $0x4000, $0x38;
	[tilespmem:$0x8400] =	vst v63  }
0x11: {  	_ =	swait.ge [sflag:s3], $0x4000  }
0x12: {  	[sflag:s3] =	ssyncset.done $0x0  }
0x13: {  	s10 =	simm.s32 $0x4400;
	[sflag:s3] =	ssyncadd.s32 $0xFFFFC000  }
0x14: {  	[tilespmem:s10], [sflag:$0x1] =	stream.indirect.gather [hbm4b:s5+s6], $0x80, s6, s6, $0xb8;
	[tilespmem:$0x8400] =	vst v63  }
0x15: {  	_ =	swait.ge [sflag:s8], $0x4000  }
0x16: {  	[sflag:s8] =	ssyncset.done $0x0  }
0x17: {  	s11 =	sadd.s32 $0x800, s9;
	[sflag:s8] =	ssyncadd.s32 $0xFFFFC000  }
0x18: {  	[hbm4b:s11+s2] =	stream.linear.scatter [tilespmem:s10], [sflag:$0x2], $0x4000, $0x38;
	[tilespmem:$0x8400] =	vst v63  }
0x19: {  	_ =	swait.ge [sflag:s3], $0x4000  }
0x1a: {  	[sflag:s3] =	ssyncset.done $0x0  }
0x1b: {  	s12 =	simm.s32 $0x100;
	[sflag:s3] =	ssyncadd.s32 $0xFFFFC000  }
0x1c: {  	[tilespmem:s7], [sflag:$0x1] =	stream.indirect.gather [hbm4b:s5+s6], $0x80, s12, s6, $0xb8;
	[tilespmem:$0x8400] =	vst v63  }
0x1d: {  	_ =	swait.ge [sflag:s8], $0x4000  }
0x1e: {  	[sflag:s8] =	ssyncset.done $0x0  }
0x1f: {  	s13 =	sadd.s32 $0x1000, s9;
	[sflag:s8] =	ssyncadd.s32 $0xFFFFC000  }
0x20: {  	[hbm4b:s13+s2] =	stream.linear.scatter [tilespmem:s7], [sflag:$0x2], $0x4000, $0x38;
	[tilespmem:$0x8400] =	vst v63  }
0x21: {  	_ =	swait.ge [sflag:s3], $0x4000  }
0x22: {  	[sflag:s3] =	ssyncset.done $0x0  }
0x23: {  	s14 =	simm.s32 $0x180;
	[sflag:s3] =	ssyncadd.s32 $0xFFFFC000  }
0x24: {  	[tilespmem:s10], [sflag:$0x1] =	stream.indirect.gather [hbm4b:s5+s6], $0x80, s14, s6, $0xb8;
	[tilespmem:$0x8400] =	vst v63  }
0x25: {  	_ =	swait.ge [sflag:s8], $0x4000  }
0x26: {  	[sflag:s8] =	ssyncset.done $0x0  }
0x27: {  	s15 =	sadd.s32 $0x1800, s9;
	[sflag:s8] =	ssyncadd.s32 $0xFFFFC000  }
0x28: {  	[hbm4b:s15+s2] =	stream.linear.scatter [tilespmem:s10], [sflag:$0x2], $0x4000, $0x38;
	[tilespmem:$0x8400] =	vst v63  }
0x29: {  	_ =	swait.ge [sflag:s3], $0x4000  }
0x2a: {  	[sflag:s3] =	ssyncset.done $0x0  }
0x2b: {  	s16 =	simm.s32 $0x200;
	[sflag:s3] =	ssyncadd.s32 $0xFFFFC000  }
0x2c: {  	[tilespmem:s7], [sflag:$0x1] =	stream.indirect.gather [hbm4b:s5+s6], $0x80, s16, s6, $0xb8;
	[tilespmem:$0x8400] =	vst v63  }
0x2d: {  	_ =	swait.ge [sflag:s8], $0x4000  }
0x2e: {  	[sflag:s8] =	ssyncset.done $0x0  }
0x2f: {  	s17 =	sadd.s32 $0x2000, s9;
	[sflag:s8] =	ssyncadd.s32 $0xFFFFC000  }
0x30: {  	[hbm4b:s17+s2] =	stream.linear.scatter [tilespmem:s7], [sflag:$0x2], $0x4000, $0x38;
	[tilespmem:$0x8400] =	vst v63  }
0x31: {  	_ =	swait.ge [sflag:s3], $0x4000  }
0x32: {  	[sflag:s3] =	ssyncset.done $0x0  }
0x33: {  	s18 =	simm.s32 $0x280;
	[sflag:s3] =	ssyncadd.s32 $0xFFFFC000  }
0x34: {  	[tilespmem:s10], [sflag:$0x1] =	stream.indirect.gather [hbm4b:s5+s6], $0x80, s18, s6, $0xb8;
	[tilespmem:$0x8400] =	vst v63  }
0x35: {  	_ =	swait.ge [sflag:s8], $0x4000  }
0x36: {  	[sflag:s8] =	ssyncset.done $0x0  }
0x37: {  	s19 =	sadd.s32 $0x2800, s9;
	[sflag:s8] =	ssyncadd.s32 $0xFFFFC000  }
0x38: {  	[hbm4b:s19+s2] =	stream.linear.scatter [tilespmem:s10], [sflag:$0x2], $0x4000, $0x38;
	[tilespmem:$0x8400] =	vst v63  }
0x39: {  	_ =	swait.ge [sflag:s3], $0x4000  }
0x3a: {  	[sflag:s3] =	ssyncset.done $0x0  }
0x3b: {  	s20 =	simm.s32 $0x300;
	[sflag:s3] =	ssyncadd.s32 $0xFFFFC000  }
0x3c: {  	[tilespmem:s7], [sflag:$0x1] =	stream.indirect.gather [hbm4b:s5+s6], $0x80, s20, s6, $0xb8;
	[tilespmem:$0x8400] =	vst v63  }
0x3d: {  	_ =	swait.ge [sflag:s8], $0x4000  }
0x3e: {  	[sflag:s8] =	ssyncset.done $0x0  }
0x3f: {  	s23 =	ssub.s32 $0x2, s22;
	s21 =	sadd.s32 $0x3000, s9;
	[sflag:s8] =	ssyncadd.s32 $0xFFFFC000  }
0x40: {  	[hbm4b:s21+s2] =	stream.linear.scatter [tilespmem:s7], [sflag:$0x2], $0x4000, $0x38;
	[tilespmem:$0x8400] =	vst v63  }
0x41: {  	s24 =	sshrl.u32 s23, $0x1;
	_ =	swait.ge [sflag:s3], $0x4000  }
0x42: {  	s24 =	ssub.s32 s23, s24;
	[sflag:s3] =	ssyncset.done $0x0  }
0x43: {  	s22 =	simm.s32 $0x380;
	s24 =	smax.u32 s24, $0x1;
	[sflag:s3] =	ssyncadd.s32 $0xFFFFC000  }
0x44: {  	[tilespmem:s10], [sflag:$0x1] =	stream.indirect.gather [hbm4b:s5+s6], $0x80, s22, s6, $0xb8;
	[tilespmem:$0x8400] =	vst v63  }
0x45: {  	p0 =	sne.s32 s24, $0x1;
	_ =	swait.ge [sflag:s8], $0x4000  }
.Ltmp0:
0x46: {  	[sflag:s8] =	ssyncset.done $0x0;
	(pc) =	sbr.rel @!p0 .LBB2_2-.Ltmp0, $4  }
0x47: {  	s23 =	sadd.s32 $0x3800, s9;
	[sflag:s8] =	ssyncadd.s32 $0xFFFFC000  }
0x48: {  	[hbm4b:s23+s2] =	stream.linear.scatter [tilespmem:s10], [sflag:$0x2], $0x4000, $0x38;
	[tilespmem:$0x8400] =	vst v63  }
0x49: {  	_ =	swait.ge [sflag:s3], $0x4000  }
0x4a: {  	s24 =	sadd.s32 $0xFFFFFFFF, s24;
	[sflag:s3] =	ssyncset.done $0x0  }
.LBB2_1:
0x4b: {  	p0 =	sne.s32 s24, $0x1;
	s24 =	sadd.s32 $0xFFFFFFFF, s24;
	[sflag:s3] =	ssyncadd.s32 $0xFFFFC000  }
0x4c: {  	[tilespmem:s2], [sflag:$0x2] =	stream.linear.gather [hbm4b:s4+s2], $0x400, $0x38;
	[tilespmem:$0x8400] =	vst v63  }
0x4d: {  	_ =	swait.ge [sflag:s3], $0x400  }
0x4e: {  	[sflag:s3] =	ssyncset.done $0x0  }
0x4f: {  	[sflag:s3] =	ssyncadd.s32 $0xFFFFFC00  }
0x50: {  	[tilespmem:s7], [sflag:$0x1] =	stream.indirect.gather [hbm4b:s5+s6], $0x80, s2, s6, $0xb8;
	[tilespmem:$0x8400] =	vst v63  }
0x51: {  	_ =	swait.ge [sflag:s8], $0x4000  }
0x52: {  	[sflag:s8] =	ssyncset.done $0x0  }
0x53: {  	[sflag:s8] =	ssyncadd.s32 $0xFFFFC000  }
0x54: {  	[hbm4b:s9+s2] =	stream.linear.scatter [tilespmem:s7], [sflag:$0x2], $0x4000, $0x38;
	[tilespmem:$0x8400] =	vst v63  }
0x55: {  	_ =	swait.ge [sflag:s3], $0x4000  }
0x56: {  	[sflag:s3] =	ssyncset.done $0x0  }
0x57: {  	[sflag:s3] =	ssyncadd.s32 $0xFFFFC000  }
0x58: {  	[tilespmem:s10], [sflag:$0x1] =	stream.indirect.gather [hbm4b:s5+s6], $0x80, s6, s6, $0xb8;
	[tilespmem:$0x8400] =	vst v63  }
0x59: {  	_ =	swait.ge [sflag:s8], $0x4000  }
0x5a: {  	[sflag:s8] =	ssyncset.done $0x0  }
0x5b: {  	[sflag:s8] =	ssyncadd.s32 $0xFFFFC000  }
0x5c: {  	[hbm4b:s11+s2] =	stream.linear.scatter [tilespmem:s10], [sflag:$0x2], $0x4000, $0x38;
	[tilespmem:$0x8400] =	vst v63  }
0x5d: {  	_ =	swait.ge [sflag:s3], $0x4000  }
0x5e: {  	[sflag:s3] =	ssyncset.done $0x0  }
0x5f: {  	[sflag:s3] =	ssyncadd.s32 $0xFFFFC000  }
0x60: {  	[tilespmem:s7], [sflag:$0x1] =	stream.indirect.gather [hbm4b:s5+s6], $0x80, s12, s6, $0xb8;
	[tilespmem:$0x8400] =	vst v63  }
0x61: {  	_ =	swait.ge [sflag:s8], $0x4000  }
0x62: {  	[sflag:s8] =	ssyncset.done $0x0  }
0x63: {  	[sflag:s8] =	ssyncadd.s32 $0xFFFFC000  }
0x64: {  	[hbm4b:s13+s2] =	stream.linear.scatter [tilespmem:s7], [sflag:$0x2], $0x4000, $0x38;
	[tilespmem:$0x8400] =	vst v63  }
0x65: {  	_ =	swait.ge [sflag:s3], $0x4000  }
0x66: {  	[sflag:s3] =	ssyncset.done $0x0  }
0x67: {  	[sflag:s3] =	ssyncadd.s32 $0xFFFFC000  }
0x68: {  	[tilespmem:s10], [sflag:$0x1] =	stream.indirect.gather [hbm4b:s5+s6], $0x80, s14, s6, $0xb8;
	[tilespmem:$0x8400] =	vst v63  }
0x69: {  	_ =	swait.ge [sflag:s8], $0x4000  }
0x6a: {  	[sflag:s8] =	ssyncset.done $0x0  }
0x6b: {  	[sflag:s8] =	ssyncadd.s32 $0xFFFFC000  }
0x6c: {  	[hbm4b:s15+s2] =	stream.linear.scatter [tilespmem:s10], [sflag:$0x2], $0x4000, $0x38;
	[tilespmem:$0x8400] =	vst v63  }
0x6d: {  	_ =	swait.ge [sflag:s3], $0x4000  }
0x6e: {  	[sflag:s3] =	ssyncset.done $0x0  }
0x6f: {  	[sflag:s3] =	ssyncadd.s32 $0xFFFFC000  }
0x70: {  	[tilespmem:s7], [sflag:$0x1] =	stream.indirect.gather [hbm4b:s5+s6], $0x80, s16, s6, $0xb8;
	[tilespmem:$0x8400] =	vst v63  }
0x71: {  	_ =	swait.ge [sflag:s8], $0x4000  }
0x72: {  	[sflag:s8] =	ssyncset.done $0x0  }
0x73: {  	[sflag:s8] =	ssyncadd.s32 $0xFFFFC000  }
0x74: {  	[hbm4b:s17+s2] =	stream.linear.scatter [tilespmem:s7], [sflag:$0x2], $0x4000, $0x38;
	[tilespmem:$0x8400] =	vst v63  }
0x75: {  	_ =	swait.ge [sflag:s3], $0x4000  }
0x76: {  	[sflag:s3] =	ssyncset.done $0x0  }
0x77: {  	[sflag:s3] =	ssyncadd.s32 $0xFFFFC000  }
0x78: {  	[tilespmem:s10], [sflag:$0x1] =	stream.indirect.gather [hbm4b:s5+s6], $0x80, s18, s6, $0xb8;
	[tilespmem:$0x8400] =	vst v63  }
0x79: {  	_ =	swait.ge [sflag:s8], $0x4000  }
0x7a: {  	[sflag:s8] =	ssyncset.done $0x0  }
0x7b: {  	[sflag:s8] =	ssyncadd.s32 $0xFFFFC000  }
0x7c: {  	[hbm4b:s19+s2] =	stream.linear.scatter [tilespmem:s10], [sflag:$0x2], $0x4000, $0x38;
	[tilespmem:$0x8400] =	vst v63  }
0x7d: {  	_ =	swait.ge [sflag:s3], $0x4000  }
0x7e: {  	[sflag:s3] =	ssyncset.done $0x0  }
0x7f: {  	[sflag:s3] =	ssyncadd.s32 $0xFFFFC000  }
0x80: {  	[tilespmem:s7], [sflag:$0x1] =	stream.indirect.gather [hbm4b:s5+s6], $0x80, s20, s6, $0xb8;
	[tilespmem:$0x8400] =	vst v63  }
0x81: {  	_ =	swait.ge [sflag:s8], $0x4000  }
0x82: {  	[sflag:s8] =	ssyncset.done $0x0  }
0x83: {  	[sflag:s8] =	ssyncadd.s32 $0xFFFFC000  }
0x84: {  	[hbm4b:s21+s2] =	stream.linear.scatter [tilespmem:s7], [sflag:$0x2], $0x4000, $0x38;
	[tilespmem:$0x8400] =	vst v63  }
0x85: {  	_ =	swait.ge [sflag:s3], $0x4000  }
0x86: {  	[sflag:s3] =	ssyncset.done $0x0  }
0x87: {  	[sflag:s3] =	ssyncadd.s32 $0xFFFFC000  }
0x88: {  	[tilespmem:s10], [sflag:$0x1] =	stream.indirect.gather [hbm4b:s5+s6], $0x80, s22, s6, $0xb8;
	[tilespmem:$0x8400] =	vst v63  }
0x89: {  	_ =	swait.ge [sflag:s8], $0x4000  }
.Ltmp1:
0x8a: {  	[sflag:s8] =	ssyncset.done $0x0;
	(pc) =	sbr.rel @p0 .LBB2_1-.Ltmp1, $4  }
0x8b: {  	[sflag:s8] =	ssyncadd.s32 $0xFFFFC000  }
0x8c: {  	[hbm4b:s23+s2] =	stream.linear.scatter [tilespmem:s10], [sflag:$0x2], $0x4000, $0x38;
	[tilespmem:$0x8400] =	vst v63  }
0x8d: {  	_ =	swait.ge [sflag:s3], $0x4000  }
0x8e: {  	[sflag:s3] =	ssyncset.done $0x0  }
.LBB2_2:
0x8f: {  	[sflag:s3] =	ssyncadd.s32 $0xFFFFC000  }
0x90: {  	_ =	sfence.sel $0x180000  }
0x91: {  	[bflag:$0x0] =	sbarrier.arrive $0xFFFF  }
0x92: {  	p0 =	sne.s32 s0, $0x0;
	_ =	strace $0x90000047  }
0x93: {  	s0 =	sadd.s32 @!p0 $0x100000, s1;
	[bflag:$0x2] =	sbarrier.arrive $0xFFFF  }
0x94: {  	[sflag:s0] =	ssyncadd.tile.s32 @!p0 $0x1;
	_ =	shalt  }
.Lfunc_end2:
_tile_overlayer_lowered:
.L_overlay_start_2:
0x95: {  	(tag) =	ssettag $0x2  }
0x96: {  	s0 =	rddreg [dreg:$0x0];
	s2 =	stileid.u32  }
0x97: {  	s1 =	rddreg [dreg:$0x1];
	p0 =	sne.s32 s2, $0x0  }
0x98: {  	s3 =	rddreg [dreg:$0x2];
	[bflag:$0x3] =	sbarrier.arrive $0xFFFF;
	s2 =	simm.s32 @!p0 $0x1C02  }
0x99: {  	[timem:s3], [sflag:s2] =	dma.local @!p0 [hbm:s0], s1  }
0x9a: {  	s0 =	simm.s32 @!p0 $0x2  }
0x9b: {  	_ =	swait.ge @!p0 [sflag:s0], s1  }
0x9c: {  	s1 =	ssub.s32 @!p0 $0x0, s1;
	[sflag:s0] =	ssyncset.done @!p0 $0x0  }
0x9d: {  	[sflag:s0] =	ssyncadd.s32 @!p0 s1  }
0x9e: {  	[bflag:$0x3] =	sbarrier.arrive $0xFFFF  }
0x9f: {  	_ =	shalt  }

</sc_bundles>
